<compile_context>
chip_gen: v7x
topology: tpu7x:2x2x1
jax: 0.10.2.dev20260603
libtpu: 0.0.44.dev20260713+nightly
codegen_flags: <defaults>
</compile_context>

<pallas_src>
import functools

import jax
import jax.numpy as jnp
import numpy as np
from jax.experimental import pallas as pl
from jax.experimental.pallas import tpu as pltpu

_B, _D, _L, _T = 128, 4096, 32, 40
_R, _C = 128, 1024
_G = 8

_ROT = (13, 15, 26, 6, 17, 29, 16, 24)
_U32 = jnp.uint32
_KS0 = np.uint32(0)
_KS1 = np.uint32(1)
_KS2 = np.uint32(_KS0 ^ _KS1 ^ np.uint32(0x1BD11BDA))
_LO = np.nextafter(np.float32(-1.0), np.float32(0.0), dtype=np.float32)
_SQRT2 = np.float32(np.sqrt(2.0))


def _rotl(x, d):
    return jax.lax.shift_left(x, _U32(d)) | jax.lax.shift_right_logical(
        x, _U32(32 - d))


def _noise_bits(x1):
    ks = (_U32(_KS0), _U32(_KS1), _U32(_KS2))
    x0 = jnp.full_like(x1, ks[0])
    x1 = x1 + ks[1]
    for g in range(5):
        rs = _ROT[:4] if g % 2 == 0 else _ROT[4:]
        for r in rs:
            x0 = x0 + x1
            x1 = _rotl(x1, r)
            x1 = x1 ^ x0
        x0 = x0 + ks[(g + 1) % 3]
        x1 = x1 + ks[(g + 2) % 3] + _U32(g + 1)
    return x0 ^ x1


def _noise_block(flat_base):
    row = jax.lax.broadcasted_iota(_U32, (_R, _C), 0)
    col = jax.lax.broadcasted_iota(_U32, (_R, _C), 1)
    f = flat_base + row * _U32(_C) + col
    bits = _noise_bits(f)
    fb = jax.lax.shift_right_logical(bits, _U32(9)) | _U32(0x3F800000)
    u01 = jax.lax.bitcast_convert_type(fb, jnp.float32) - jnp.float32(1.0)
    u = jnp.maximum(_LO, u01 * (np.float32(1.0) - _LO) + _LO)
    return _SQRT2 * u


def _combine_body(t_ref, x_ref, iw_ref, nw_ref, e_ref, a_ref, o_ref):
    e = e_ref[...]
    a = a_ref[0]
    base = pl.program_id(0) * _G
    for j in range(_G):
        tj = t_ref[base + j]
        iw = jax.lax.dot(iw_ref[tj], e, preferred_element_type=jnp.float32)
        nw = jax.lax.dot(nw_ref[tj], e, preferred_element_type=jnp.float32)
        noise = _noise_block(_U32(base + j) * _U32(_R * _C))
        o_ref[j] = iw * x_ref[j] + nw * noise + a


def kernel(x_0, t, task_id, info_weights, noise_weights):
    tid = jnp.asarray(task_id)
    valid = (tid == 0) | (tid == 1) | (tid == 4)
    addend = jnp.where(valid, 0.0, jnp.nan).astype(jnp.float32).reshape(1)
    expand = jnp.repeat(jnp.eye(_L, dtype=jnp.float32), _C // _L, axis=1)

    grid_spec = pltpu.PrefetchScalarGridSpec(
        num_scalar_prefetch=1,
        grid=(_B // _G,),
        in_specs=[
            pl.BlockSpec((_G, _R, _C), lambda b, t_sref: (b, 0, 0)),
            pl.BlockSpec((_T, _R, _L), lambda b, t_sref: (0, 0, 0)),
            pl.BlockSpec((_T, _R, _L), lambda b, t_sref: (0, 0, 0)),
            pl.BlockSpec((_L, _C), lambda b, t_sref: (0, 0)),
            pl.BlockSpec(memory_space=pltpu.SMEM),
        ],
        out_specs=pl.BlockSpec((_G, _R, _C), lambda b, t_sref: (b, 0, 0)),
    )
    out = pl.pallas_call(
        _combine_body,
        grid_spec=grid_spec,
        out_shape=jax.ShapeDtypeStruct((_B, _R, _C), jnp.float32),
        compiler_params=pltpu.CompilerParams(
            dimension_semantics=("arbitrary",)),
    )(t, x_0.reshape(_B, _R, _C),
      info_weights.reshape(_T, _R, _L), noise_weights.reshape(_T, _R, _L),
      expand, addend)
    return out.reshape(_B, _D, _L)

# --- scband reference (transcript-rebuilt; emitter-appended) ---
"""Pipeline reference for scband-signal-diffusion-54065048322334 (READ-ONLY COPY).

The authoritative reference and input builder live on the scoring server;
editing this copy changes nothing except your own understanding.
"""

import jax, jax.numpy as jnp
import numpy as np

D = 4096  # sample_rate / input_dim
T = 40    # max_step
B = 128
L = 32


def _get_kernel(var_kernel):
    # var_kernel: [K, 1] float32
    samples = np.arange(D, dtype=np.float32)
    x = (samples - D // 2) ** 2
    with np.errstate(divide='ignore', invalid='ignore', over='ignore'):
        num = np.exp(-x[None, :] / (2.0 * var_kernel))
        norm = np.sqrt(2.0 * np.pi * var_kernel)
        gk = num / norm
        gk = D * gk / gk.sum(axis=1, keepdims=True)
    return gk


def _build_buffers():
    beta = np.array([0.0005 * (i + 1) for i in range(T)], dtype=np.float32)
    alpha = 1.0 - beta
    alpha_bar = np.cumprod(alpha)
    var_blur = np.array([0.5 * (i + 1) for i in range(T)], dtype=np.float32)
    var_blur_bar = np.cumsum(var_blur)
    with np.errstate(divide='ignore', invalid='ignore'):
        var_kernel_bar = (D / var_blur_bar)[:, None].astype(np.float32)
    gk_bar = _get_kernel(var_kernel_bar)
    info_weights = (gk_bar * np.sqrt(alpha_bar)[:, None]).astype(np.float32)
    ws = []
    for t in range(T):
        upper = t + 1
        one_minus_alpha_sqrt = np.sqrt(1.0 - alpha[:upper])
        rev_omas = one_minus_alpha_sqrt[::-1].copy()
        rev_alpha = alpha[:upper][::-1].copy()
        rev_abar_sqrt = np.sqrt(np.cumprod(rev_alpha) / rev_alpha[-1])
        rev_vb = var_blur[:upper][::-1].copy()
        rev_vbb = np.cumsum(rev_vb) - rev_vb[-1]
        with np.errstate(divide='ignore', invalid='ignore'):
            rev_vk = (D / rev_vbb)[:, None].astype(np.float32)
        rev_kb = _get_kernel(rev_vk)
        rev_kb[0, :] = 1.0
        w = (rev_abar_sqrt[:, None] * rev_kb).T @ rev_omas
        ws.append(w.astype(np.float32))
    noise_weights = np.stack(ws, axis=0)
    return info_weights, noise_weights


def setup_inputs(seed: int = 0) -> dict:
    key = jax.random.key(seed)
    k1, k2 = jax.random.split(key)
    iw, nw = _build_buffers()
    return {
        'x_0': jax.random.normal(k1, (B, D, L), dtype=jnp.float32),
        't': jax.random.randint(k2, (B,), 0, T, dtype=jnp.int32),
        'task_id': 0,
        'info_weights': jnp.asarray(iw),
        'noise_weights': jnp.asarray(nw),
    }


def reference(x_0, t, task_id, info_weights, noise_weights):
    tid = jnp.asarray(task_id)
    valid = (tid == 0) | (tid == 1) | (tid == 4)
    # embedding-style gather of per-timestep weight rows
    nw = jnp.take(noise_weights, t, axis=0)  # [B, D]
    iw = jnp.take(info_weights, t, axis=0)   # [B, D]
    extra = x_0.ndim - 2
    nw = nw.reshape(nw.shape + (1,) * extra)
    iw = iw.reshape(iw.shape + (1,) * extra)
    noise = jax.random.normal(jax.random.key(1), x_0.shape, dtype=x_0.dtype)
    x_t = iw * x_0 + nw * noise
    x_t = jnp.where(valid, x_t, jnp.full_like(x_t, jnp.nan))
    return x_t

if __name__ == "__main__":
    import jax
    _d = setup_inputs()
    print(jax.jit(kernel)(*tuple(_d.values())))

</pallas_src>

<mosaic_0001>
module attributes {stable_mosaic.version = 14 : i64} {
  func.func @_combine_body(%arg0: i32, %arg1: memref<128xi32, #tpu.memory_space<smem>>, %arg2: memref<8x128x1024xf32, #tpu.memory_space<vmem>>, %arg3: memref<40x128x32xf32, #tpu.memory_space<vmem>>, %arg4: memref<40x128x32xf32, #tpu.memory_space<vmem>>, %arg5: memref<32x1024xf32, #tpu.memory_space<vmem>>, %arg6: memref<1xf32, #tpu.memory_space<smem>>, %arg7: memref<8x128x1024xf32, #tpu.memory_space<vmem>>) attributes {dimension_semantics = [#tpu.dimension_semantics<arbitrary>], iteration_bounds = array<i64: 16>, scalar_prefetch = 1 : i64, scratch_operands = 0 : i64, tpu.core_type = #tpu.core_type<tc>, window_params = [{transform_indices = @transform_0, window_bounds = array<i64: 8, 128, 1024>}, {pipeline_mode = #tpu.pipeline_mode<synchronous>, transform_indices = @transform_1, window_bounds = array<i64: 40, 128, 32>}, {pipeline_mode = #tpu.pipeline_mode<synchronous>, transform_indices = @transform_2, window_bounds = array<i64: 40, 128, 32>}, {pipeline_mode = #tpu.pipeline_mode<synchronous>, transform_indices = @transform_3, window_bounds = array<i64: 32, 1024>}, {transform_indices = @transform_4, window_bounds = array<i64: 1>}, {transform_indices = @transform_5, window_bounds = array<i64: 8, 128, 1024>}]} {
    %get3A = arith.constant 0 : index
    %get3A_0 = arith.constant 0 : index
    %get3A_1 = vector.load %arg5[%get3A, %get3A_0] : memref<32x1024xf32, #tpu.memory_space<vmem>>, vector<32x1024xf32>
    %get3A_2 = arith.constant 0 : index
    %get3A_3 = memref.load %arg6[%get3A_2] : memref<1xf32, #tpu.memory_space<smem>>
    %mul3A = arith.constant 8 : i32
    %mul3A_4 = arith.muli %arg0, %mul3A : i32
    %add3A = arith.constant 0 : i32
    %add3A_5 = arith.addi %mul3A_4, %add3A : i32
    %get3A_6 = arith.index_cast %add3A_5 : i32 to index
    %get3A_7 = memref.load %arg1[%get3A_6] : memref<128xi32, #tpu.memory_space<smem>>
    %get3A_8 = arith.index_cast %get3A_7 : i32 to index
    %get3A_9 = arith.constant 0 : index
    %get3A_10 = arith.constant 0 : index
    %get3A_11 = vector.load %arg3[%get3A_8, %get3A_9, %get3A_10] : memref<40x128x32xf32, #tpu.memory_space<vmem>>, vector<1x128x32xf32>
    %get3A_12 = vector.shape_cast %get3A_11 : vector<1x128x32xf32> to vector<128x32xf32>
    %dot_general3A = arith.constant dense<0.000000e+00> : vector<128x1024xf32>
    %dot_general3A_13 = tpu.matmul %get3A_12, %get3A_1, %dot_general3A {dimension_numbers = #tpu.dot_dimension_numbers<[1], [0], [0], [1], [0, 0, 1, 1], [], []>, transpose_lhs_hint = false} : vector<128x32xf32>, vector<32x1024xf32>, vector<128x1024xf32> -> vector<128x1024xf32>
    %get3A_14 = arith.index_cast %get3A_7 : i32 to index
    %get3A_15 = arith.constant 0 : index
    %get3A_16 = arith.constant 0 : index
    %get3A_17 = vector.load %arg4[%get3A_14, %get3A_15, %get3A_16] : memref<40x128x32xf32, #tpu.memory_space<vmem>>, vector<1x128x32xf32>
    %get3A_18 = vector.shape_cast %get3A_17 : vector<1x128x32xf32> to vector<128x32xf32>
    %dot_general3A_19 = arith.constant dense<0.000000e+00> : vector<128x1024xf32>
    %dot_general3A_20 = tpu.matmul %get3A_18, %get3A_1, %dot_general3A_19 {dimension_numbers = #tpu.dot_dimension_numbers<[1], [0], [0], [1], [0, 0, 1, 1], [], []>, transpose_lhs_hint = false} : vector<128x32xf32>, vector<32x1024xf32>, vector<128x1024xf32> -> vector<128x1024xf32>
    %add3A_21 = arith.constant 0 : i32
    %add3A_22 = arith.addi %mul3A_4, %add3A_21 : i32
    %mul3A_23 = arith.constant 131072 : i32
    %mul3A_24 = arith.muli %add3A_22, %mul3A_23 : i32
    %iota3A = tpu.iota {dimensions = array<i32: 0>} : vector<128x1024xi32>
    %iota3A_25 = tpu.iota {dimensions = array<i32: 1>} : vector<128x1024xi32>
    %mul3A_26 = arith.constant 1024 : i32
    %mul3A_27 = vector.broadcast %mul3A_26 : i32 to vector<128x1024xi32>
    %mul3A_28 = arith.muli %iota3A, %mul3A_27 : vector<128x1024xi32>
    %add3A_29 = vector.broadcast %mul3A_24 : i32 to vector<128x1024xi32>
    %add3A_30 = arith.addi %add3A_29, %mul3A_28 : vector<128x1024xi32>
    %add3A_31 = arith.addi %add3A_30, %iota3A_25 : vector<128x1024xi32>
    %broadcast_in_dim3A = arith.constant 0 : i32
    %broadcast_in_dim3A_32 = vector.broadcast %broadcast_in_dim3A : i32 to vector<128x1024xi32>
    %add3A_33 = arith.constant 1 : i32
    %add3A_34 = vector.broadcast %add3A_33 : i32 to vector<128x1024xi32>
    %add3A_35 = arith.addi %add3A_31, %add3A_34 : vector<128x1024xi32>
    %add3A_36 = arith.addi %broadcast_in_dim3A_32, %add3A_35 : vector<128x1024xi32>
    %shift_left3A = arith.constant 13 : i32
    %shift_left3A_37 = vector.broadcast %shift_left3A : i32 to vector<128x1024xi32>
    %shift_left3A_38 = arith.shli %add3A_35, %shift_left3A_37 : vector<128x1024xi32>
    %shift_right_logical3A = arith.constant 19 : i32
    %shift_right_logical3A_39 = vector.broadcast %shift_right_logical3A : i32 to vector<128x1024xi32>
    %shift_right_logical3A_40 = arith.shrui %add3A_35, %shift_right_logical3A_39 : vector<128x1024xi32>
    %or3A = arith.ori %shift_left3A_38, %shift_right_logical3A_40 : vector<128x1024xi32>
    %xor3A = arith.xori %or3A, %add3A_36 : vector<128x1024xi32>
    %add3A_41 = arith.addi %add3A_36, %xor3A : vector<128x1024xi32>
    %shift_left3A_42 = arith.constant 15 : i32
    %shift_left3A_43 = vector.broadcast %shift_left3A_42 : i32 to vector<128x1024xi32>
    %shift_left3A_44 = arith.shli %xor3A, %shift_left3A_43 : vector<128x1024xi32>
    %shift_right_logical3A_45 = arith.constant 17 : i32
    %shift_right_logical3A_46 = vector.broadcast %shift_right_logical3A_45 : i32 to vector<128x1024xi32>
    %shift_right_logical3A_47 = arith.shrui %xor3A, %shift_right_logical3A_46 : vector<128x1024xi32>
    %or3A_48 = arith.ori %shift_left3A_44, %shift_right_logical3A_47 : vector<128x1024xi32>
    %xor3A_49 = arith.xori %or3A_48, %add3A_41 : vector<128x1024xi32>
    %add3A_50 = arith.addi %add3A_41, %xor3A_49 : vector<128x1024xi32>
    %shift_left3A_51 = arith.constant 26 : i32
    %shift_left3A_52 = vector.broadcast %shift_left3A_51 : i32 to vector<128x1024xi32>
    %shift_left3A_53 = arith.shli %xor3A_49, %shift_left3A_52 : vector<128x1024xi32>
    %shift_right_logical3A_54 = arith.constant 6 : i32
    %shift_right_logical3A_55 = vector.broadcast %shift_right_logical3A_54 : i32 to vector<128x1024xi32>
    %shift_right_logical3A_56 = arith.shrui %xor3A_49, %shift_right_logical3A_55 : vector<128x1024xi32>
    %or3A_57 = arith.ori %shift_left3A_53, %shift_right_logical3A_56 : vector<128x1024xi32>
    %xor3A_58 = arith.xori %or3A_57, %add3A_50 : vector<128x1024xi32>
    %add3A_59 = arith.addi %add3A_50, %xor3A_58 : vector<128x1024xi32>
    %shift_left3A_60 = arith.constant 6 : i32
    %shift_left3A_61 = vector.broadcast %shift_left3A_60 : i32 to vector<128x1024xi32>
    %shift_left3A_62 = arith.shli %xor3A_58, %shift_left3A_61 : vector<128x1024xi32>
    %shift_right_logical3A_63 = arith.constant 26 : i32
    %shift_right_logical3A_64 = vector.broadcast %shift_right_logical3A_63 : i32 to vector<128x1024xi32>
    %shift_right_logical3A_65 = arith.shrui %xor3A_58, %shift_right_logical3A_64 : vector<128x1024xi32>
    %or3A_66 = arith.ori %shift_left3A_62, %shift_right_logical3A_65 : vector<128x1024xi32>
    %xor3A_67 = arith.xori %or3A_66, %add3A_59 : vector<128x1024xi32>
    %add3A_68 = arith.constant 1 : i32
    %add3A_69 = vector.broadcast %add3A_68 : i32 to vector<128x1024xi32>
    %add3A_70 = arith.addi %add3A_59, %add3A_69 : vector<128x1024xi32>
    %add3A_71 = arith.constant 466688987 : i32
    %add3A_72 = vector.broadcast %add3A_71 : i32 to vector<128x1024xi32>
    %add3A_73 = arith.addi %xor3A_67, %add3A_72 : vector<128x1024xi32>
    %add3A_74 = arith.constant 1 : i32
    %add3A_75 = vector.broadcast %add3A_74 : i32 to vector<128x1024xi32>
    %add3A_76 = arith.addi %add3A_73, %add3A_75 : vector<128x1024xi32>
    %add3A_77 = arith.addi %add3A_70, %add3A_76 : vector<128x1024xi32>
    %shift_left3A_78 = arith.constant 17 : i32
    %shift_left3A_79 = vector.broadcast %shift_left3A_78 : i32 to vector<128x1024xi32>
    %shift_left3A_80 = arith.shli %add3A_76, %shift_left3A_79 : vector<128x1024xi32>
    %shift_right_logical3A_81 = arith.constant 15 : i32
    %shift_right_logical3A_82 = vector.broadcast %shift_right_logical3A_81 : i32 to vector<128x1024xi32>
    %shift_right_logical3A_83 = arith.shrui %add3A_76, %shift_right_logical3A_82 : vector<128x1024xi32>
    %or3A_84 = arith.ori %shift_left3A_80, %shift_right_logical3A_83 : vector<128x1024xi32>
    %xor3A_85 = arith.xori %or3A_84, %add3A_77 : vector<128x1024xi32>
    %add3A_86 = arith.addi %add3A_77, %xor3A_85 : vector<128x1024xi32>
    %shift_left3A_87 = arith.constant 29 : i32
    %shift_left3A_88 = vector.broadcast %shift_left3A_87 : i32 to vector<128x1024xi32>
    %shift_left3A_89 = arith.shli %xor3A_85, %shift_left3A_88 : vector<128x1024xi32>
    %shift_right_logical3A_90 = arith.constant 3 : i32
    %shift_right_logical3A_91 = vector.broadcast %shift_right_logical3A_90 : i32 to vector<128x1024xi32>
    %shift_right_logical3A_92 = arith.shrui %xor3A_85, %shift_right_logical3A_91 : vector<128x1024xi32>
    %or3A_93 = arith.ori %shift_left3A_89, %shift_right_logical3A_92 : vector<128x1024xi32>
    %xor3A_94 = arith.xori %or3A_93, %add3A_86 : vector<128x1024xi32>
    %add3A_95 = arith.addi %add3A_86, %xor3A_94 : vector<128x1024xi32>
    %shift_left3A_96 = arith.constant 16 : i32
    %shift_left3A_97 = vector.broadcast %shift_left3A_96 : i32 to vector<128x1024xi32>
    %shift_left3A_98 = arith.shli %xor3A_94, %shift_left3A_97 : vector<128x1024xi32>
    %shift_right_logical3A_99 = arith.constant 16 : i32
    %shift_right_logical3A_100 = vector.broadcast %shift_right_logical3A_99 : i32 to vector<128x1024xi32>
    %shift_right_logical3A_101 = arith.shrui %xor3A_94, %shift_right_logical3A_100 : vector<128x1024xi32>
    %or3A_102 = arith.ori %shift_left3A_98, %shift_right_logical3A_101 : vector<128x1024xi32>
    %xor3A_103 = arith.xori %or3A_102, %add3A_95 : vector<128x1024xi32>
    %add3A_104 = arith.addi %add3A_95, %xor3A_103 : vector<128x1024xi32>
    %shift_left3A_105 = arith.constant 24 : i32
    %shift_left3A_106 = vector.broadcast %shift_left3A_105 : i32 to vector<128x1024xi32>
    %shift_left3A_107 = arith.shli %xor3A_103, %shift_left3A_106 : vector<128x1024xi32>
    %shift_right_logical3A_108 = arith.constant 8 : i32
    %shift_right_logical3A_109 = vector.broadcast %shift_right_logical3A_108 : i32 to vector<128x1024xi32>
    %shift_right_logical3A_110 = arith.shrui %xor3A_103, %shift_right_logical3A_109 : vector<128x1024xi32>
    %or3A_111 = arith.ori %shift_left3A_107, %shift_right_logical3A_110 : vector<128x1024xi32>
    %xor3A_112 = arith.xori %or3A_111, %add3A_104 : vector<128x1024xi32>
    %add3A_113 = arith.constant 466688987 : i32
    %add3A_114 = vector.broadcast %add3A_113 : i32 to vector<128x1024xi32>
    %add3A_115 = arith.addi %add3A_104, %add3A_114 : vector<128x1024xi32>
    %add3A_116 = arith.constant 0 : i32
    %add3A_117 = vector.broadcast %add3A_116 : i32 to vector<128x1024xi32>
    %add3A_118 = arith.addi %xor3A_112, %add3A_117 : vector<128x1024xi32>
    %add3A_119 = arith.constant 2 : i32
    %add3A_120 = vector.broadcast %add3A_119 : i32 to vector<128x1024xi32>
    %add3A_121 = arith.addi %add3A_118, %add3A_120 : vector<128x1024xi32>
    %add3A_122 = arith.addi %add3A_115, %add3A_121 : vector<128x1024xi32>
    %shift_left3A_123 = arith.constant 13 : i32
    %shift_left3A_124 = vector.broadcast %shift_left3A_123 : i32 to vector<128x1024xi32>
    %shift_left3A_125 = arith.shli %add3A_121, %shift_left3A_124 : vector<128x1024xi32>
    %shift_right_logical3A_126 = arith.constant 19 : i32
    %shift_right_logical3A_127 = vector.broadcast %shift_right_logical3A_126 : i32 to vector<128x1024xi32>
    %shift_right_logical3A_128 = arith.shrui %add3A_121, %shift_right_logical3A_127 : vector<128x1024xi32>
    %or3A_129 = arith.ori %shift_left3A_125, %shift_right_logical3A_128 : vector<128x1024xi32>
    %xor3A_130 = arith.xori %or3A_129, %add3A_122 : vector<128x1024xi32>
    %add3A_131 = arith.addi %add3A_122, %xor3A_130 : vector<128x1024xi32>
    %shift_left3A_132 = arith.constant 15 : i32
    %shift_left3A_133 = vector.broadcast %shift_left3A_132 : i32 to vector<128x1024xi32>
    %shift_left3A_134 = arith.shli %xor3A_130, %shift_left3A_133 : vector<128x1024xi32>
    %shift_right_logical3A_135 = arith.constant 17 : i32
    %shift_right_logical3A_136 = vector.broadcast %shift_right_logical3A_135 : i32 to vector<128x1024xi32>
    %shift_right_logical3A_137 = arith.shrui %xor3A_130, %shift_right_logical3A_136 : vector<128x1024xi32>
    %or3A_138 = arith.ori %shift_left3A_134, %shift_right_logical3A_137 : vector<128x1024xi32>
    %xor3A_139 = arith.xori %or3A_138, %add3A_131 : vector<128x1024xi32>
    %add3A_140 = arith.addi %add3A_131, %xor3A_139 : vector<128x1024xi32>
    %shift_left3A_141 = arith.constant 26 : i32
    %shift_left3A_142 = vector.broadcast %shift_left3A_141 : i32 to vector<128x1024xi32>
    %shift_left3A_143 = arith.shli %xor3A_139, %shift_left3A_142 : vector<128x1024xi32>
    %shift_right_logical3A_144 = arith.constant 6 : i32
    %shift_right_logical3A_145 = vector.broadcast %shift_right_logical3A_144 : i32 to vector<128x1024xi32>
    %shift_right_logical3A_146 = arith.shrui %xor3A_139, %shift_right_logical3A_145 : vector<128x1024xi32>
    %or3A_147 = arith.ori %shift_left3A_143, %shift_right_logical3A_146 : vector<128x1024xi32>
    %xor3A_148 = arith.xori %or3A_147, %add3A_140 : vector<128x1024xi32>
    %add3A_149 = arith.addi %add3A_140, %xor3A_148 : vector<128x1024xi32>
    %shift_left3A_150 = arith.constant 6 : i32
    %shift_left3A_151 = vector.broadcast %shift_left3A_150 : i32 to vector<128x1024xi32>
    %shift_left3A_152 = arith.shli %xor3A_148, %shift_left3A_151 : vector<128x1024xi32>
    %shift_right_logical3A_153 = arith.constant 26 : i32
    %shift_right_logical3A_154 = vector.broadcast %shift_right_logical3A_153 : i32 to vector<128x1024xi32>
    %shift_right_logical3A_155 = arith.shrui %xor3A_148, %shift_right_logical3A_154 : vector<128x1024xi32>
    %or3A_156 = arith.ori %shift_left3A_152, %shift_right_logical3A_155 : vector<128x1024xi32>
    %xor3A_157 = arith.xori %or3A_156, %add3A_149 : vector<128x1024xi32>
    %add3A_158 = arith.constant 0 : i32
    %add3A_159 = vector.broadcast %add3A_158 : i32 to vector<128x1024xi32>
    %add3A_160 = arith.addi %add3A_149, %add3A_159 : vector<128x1024xi32>
    %add3A_161 = arith.constant 1 : i32
    %add3A_162 = vector.broadcast %add3A_161 : i32 to vector<128x1024xi32>
    %add3A_163 = arith.addi %xor3A_157, %add3A_162 : vector<128x1024xi32>
    %add3A_164 = arith.constant 3 : i32
    %add3A_165 = vector.broadcast %add3A_164 : i32 to vector<128x1024xi32>
    %add3A_166 = arith.addi %add3A_163, %add3A_165 : vector<128x1024xi32>
    %add3A_167 = arith.addi %add3A_160, %add3A_166 : vector<128x1024xi32>
    %shift_left3A_168 = arith.constant 17 : i32
    %shift_left3A_169 = vector.broadcast %shift_left3A_168 : i32 to vector<128x1024xi32>
    %shift_left3A_170 = arith.shli %add3A_166, %shift_left3A_169 : vector<128x1024xi32>
    %shift_right_logical3A_171 = arith.constant 15 : i32
    %shift_right_logical3A_172 = vector.broadcast %shift_right_logical3A_171 : i32 to vector<128x1024xi32>
    %shift_right_logical3A_173 = arith.shrui %add3A_166, %shift_right_logical3A_172 : vector<128x1024xi32>
    %or3A_174 = arith.ori %shift_left3A_170, %shift_right_logical3A_173 : vector<128x1024xi32>
    %xor3A_175 = arith.xori %or3A_174, %add3A_167 : vector<128x1024xi32>
    %add3A_176 = arith.addi %add3A_167, %xor3A_175 : vector<128x1024xi32>
    %shift_left3A_177 = arith.constant 29 : i32
    %shift_left3A_178 = vector.broadcast %shift_left3A_177 : i32 to vector<128x1024xi32>
    %shift_left3A_179 = arith.shli %xor3A_175, %shift_left3A_178 : vector<128x1024xi32>
    %shift_right_logical3A_180 = arith.constant 3 : i32
    %shift_right_logical3A_181 = vector.broadcast %shift_right_logical3A_180 : i32 to vector<128x1024xi32>
    %shift_right_logical3A_182 = arith.shrui %xor3A_175, %shift_right_logical3A_181 : vector<128x1024xi32>
    %or3A_183 = arith.ori %shift_left3A_179, %shift_right_logical3A_182 : vector<128x1024xi32>
    %xor3A_184 = arith.xori %or3A_183, %add3A_176 : vector<128x1024xi32>
    %add3A_185 = arith.addi %add3A_176, %xor3A_184 : vector<128x1024xi32>
    %shift_left3A_186 = arith.constant 16 : i32
    %shift_left3A_187 = vector.broadcast %shift_left3A_186 : i32 to vector<128x1024xi32>
    %shift_left3A_188 = arith.shli %xor3A_184, %shift_left3A_187 : vector<128x1024xi32>
    %shift_right_logical3A_189 = arith.constant 16 : i32
    %shift_right_logical3A_190 = vector.broadcast %shift_right_logical3A_189 : i32 to vector<128x1024xi32>
    %shift_right_logical3A_191 = arith.shrui %xor3A_184, %shift_right_logical3A_190 : vector<128x1024xi32>
    %or3A_192 = arith.ori %shift_left3A_188, %shift_right_logical3A_191 : vector<128x1024xi32>
    %xor3A_193 = arith.xori %or3A_192, %add3A_185 : vector<128x1024xi32>
    %add3A_194 = arith.addi %add3A_185, %xor3A_193 : vector<128x1024xi32>
    %shift_left3A_195 = arith.constant 24 : i32
    %shift_left3A_196 = vector.broadcast %shift_left3A_195 : i32 to vector<128x1024xi32>
    %shift_left3A_197 = arith.shli %xor3A_193, %shift_left3A_196 : vector<128x1024xi32>
    %shift_right_logical3A_198 = arith.constant 8 : i32
    %shift_right_logical3A_199 = vector.broadcast %shift_right_logical3A_198 : i32 to vector<128x1024xi32>
    %shift_right_logical3A_200 = arith.shrui %xor3A_193, %shift_right_logical3A_199 : vector<128x1024xi32>
    %or3A_201 = arith.ori %shift_left3A_197, %shift_right_logical3A_200 : vector<128x1024xi32>
    %xor3A_202 = arith.xori %or3A_201, %add3A_194 : vector<128x1024xi32>
    %add3A_203 = arith.constant 1 : i32
    %add3A_204 = vector.broadcast %add3A_203 : i32 to vector<128x1024xi32>
    %add3A_205 = arith.addi %add3A_194, %add3A_204 : vector<128x1024xi32>
    %add3A_206 = arith.constant 466688987 : i32
    %add3A_207 = vector.broadcast %add3A_206 : i32 to vector<128x1024xi32>
    %add3A_208 = arith.addi %xor3A_202, %add3A_207 : vector<128x1024xi32>
    %add3A_209 = arith.constant 4 : i32
    %add3A_210 = vector.broadcast %add3A_209 : i32 to vector<128x1024xi32>
    %add3A_211 = arith.addi %add3A_208, %add3A_210 : vector<128x1024xi32>
    %add3A_212 = arith.addi %add3A_205, %add3A_211 : vector<128x1024xi32>
    %shift_left3A_213 = arith.constant 13 : i32
    %shift_left3A_214 = vector.broadcast %shift_left3A_213 : i32 to vector<128x1024xi32>
    %shift_left3A_215 = arith.shli %add3A_211, %shift_left3A_214 : vector<128x1024xi32>
    %shift_right_logical3A_216 = arith.constant 19 : i32
    %shift_right_logical3A_217 = vector.broadcast %shift_right_logical3A_216 : i32 to vector<128x1024xi32>
    %shift_right_logical3A_218 = arith.shrui %add3A_211, %shift_right_logical3A_217 : vector<128x1024xi32>
    %or3A_219 = arith.ori %shift_left3A_215, %shift_right_logical3A_218 : vector<128x1024xi32>
    %xor3A_220 = arith.xori %or3A_219, %add3A_212 : vector<128x1024xi32>
    %add3A_221 = arith.addi %add3A_212, %xor3A_220 : vector<128x1024xi32>
    %shift_left3A_222 = arith.constant 15 : i32
    %shift_left3A_223 = vector.broadcast %shift_left3A_222 : i32 to vector<128x1024xi32>
    %shift_left3A_224 = arith.shli %xor3A_220, %shift_left3A_223 : vector<128x1024xi32>
    %shift_right_logical3A_225 = arith.constant 17 : i32
    %shift_right_logical3A_226 = vector.broadcast %shift_right_logical3A_225 : i32 to vector<128x1024xi32>
    %shift_right_logical3A_227 = arith.shrui %xor3A_220, %shift_right_logical3A_226 : vector<128x1024xi32>
    %or3A_228 = arith.ori %shift_left3A_224, %shift_right_logical3A_227 : vector<128x1024xi32>
    %xor3A_229 = arith.xori %or3A_228, %add3A_221 : vector<128x1024xi32>
    %add3A_230 = arith.addi %add3A_221, %xor3A_229 : vector<128x1024xi32>
    %shift_left3A_231 = arith.constant 26 : i32
    %shift_left3A_232 = vector.broadcast %shift_left3A_231 : i32 to vector<128x1024xi32>
    %shift_left3A_233 = arith.shli %xor3A_229, %shift_left3A_232 : vector<128x1024xi32>
    %shift_right_logical3A_234 = arith.constant 6 : i32
    %shift_right_logical3A_235 = vector.broadcast %shift_right_logical3A_234 : i32 to vector<128x1024xi32>
    %shift_right_logical3A_236 = arith.shrui %xor3A_229, %shift_right_logical3A_235 : vector<128x1024xi32>
    %or3A_237 = arith.ori %shift_left3A_233, %shift_right_logical3A_236 : vector<128x1024xi32>
    %xor3A_238 = arith.xori %or3A_237, %add3A_230 : vector<128x1024xi32>
    %add3A_239 = arith.addi %add3A_230, %xor3A_238 : vector<128x1024xi32>
    %shift_left3A_240 = arith.constant 6 : i32
    %shift_left3A_241 = vector.broadcast %shift_left3A_240 : i32 to vector<128x1024xi32>
    %shift_left3A_242 = arith.shli %xor3A_238, %shift_left3A_241 : vector<128x1024xi32>
    %shift_right_logical3A_243 = arith.constant 26 : i32
    %shift_right_logical3A_244 = vector.broadcast %shift_right_logical3A_243 : i32 to vector<128x1024xi32>
    %shift_right_logical3A_245 = arith.shrui %xor3A_238, %shift_right_logical3A_244 : vector<128x1024xi32>
    %or3A_246 = arith.ori %shift_left3A_242, %shift_right_logical3A_245 : vector<128x1024xi32>
    %xor3A_247 = arith.xori %or3A_246, %add3A_239 : vector<128x1024xi32>
    %add3A_248 = arith.constant 466688987 : i32
    %add3A_249 = vector.broadcast %add3A_248 : i32 to vector<128x1024xi32>
    %add3A_250 = arith.addi %add3A_239, %add3A_249 : vector<128x1024xi32>
    %add3A_251 = arith.constant 0 : i32
    %add3A_252 = vector.broadcast %add3A_251 : i32 to vector<128x1024xi32>
    %add3A_253 = arith.addi %xor3A_247, %add3A_252 : vector<128x1024xi32>
    %add3A_254 = arith.constant 5 : i32
    %add3A_255 = vector.broadcast %add3A_254 : i32 to vector<128x1024xi32>
    %add3A_256 = arith.addi %add3A_253, %add3A_255 : vector<128x1024xi32>
    %xor3A_257 = arith.xori %add3A_250, %add3A_256 : vector<128x1024xi32>
    %shift_right_logical3A_258 = arith.constant 9 : i32
    %shift_right_logical3A_259 = vector.broadcast %shift_right_logical3A_258 : i32 to vector<128x1024xi32>
    %shift_right_logical3A_260 = arith.shrui %xor3A_257, %shift_right_logical3A_259 : vector<128x1024xi32>
    %or3A_261 = arith.constant 1065353216 : i32
    %or3A_262 = vector.broadcast %or3A_261 : i32 to vector<128x1024xi32>
    %or3A_263 = arith.ori %shift_right_logical3A_260, %or3A_262 : vector<128x1024xi32>
    %bitcast_convert_type3A = tpu.bitcast %or3A_263 : vector<128x1024xi32> -> vector<128x1024xf32>
    %sub3A = arith.constant 1.000000e+00 : f32
    %sub3A_264 = vector.broadcast %sub3A : f32 to vector<128x1024xf32>
    %sub3A_265 = arith.subf %bitcast_convert_type3A, %sub3A_264 : vector<128x1024xf32>
    %mul3A_266 = arith.constant 2.000000e+00 : f32
    %mul3A_267 = vector.broadcast %mul3A_266 : f32 to vector<128x1024xf32>
    %mul3A_268 = arith.mulf %sub3A_265, %mul3A_267 : vector<128x1024xf32>
    %add3A_269 = arith.constant -0.99999994 : f32
    %add3A_270 = vector.broadcast %add3A_269 : f32 to vector<128x1024xf32>
    %add3A_271 = arith.addf %mul3A_268, %add3A_270 : vector<128x1024xf32>
    %max3A = arith.constant -0.99999994 : f32
    %max3A_272 = vector.broadcast %max3A : f32 to vector<128x1024xf32>
    %max3A_273 = arith.maximumf %max3A_272, %add3A_271 : vector<128x1024xf32>
    %mul3A_274 = arith.constant 1.41421354 : f32
    %mul3A_275 = vector.broadcast %mul3A_274 : f32 to vector<128x1024xf32>
    %mul3A_276 = arith.mulf %mul3A_275, %max3A_273 : vector<128x1024xf32>
    %get3A_277 = arith.constant 0 : index
    %get3A_278 = arith.constant 0 : index
    %get3A_279 = arith.constant 0 : index
    %get3A_280 = vector.load %arg2[%get3A_277, %get3A_278, %get3A_279] : memref<8x128x1024xf32, #tpu.memory_space<vmem>>, vector<1x128x1024xf32>
    %get3A_281 = vector.shape_cast %get3A_280 : vector<1x128x1024xf32> to vector<128x1024xf32>
    %mul3A_282 = arith.mulf %dot_general3A_13, %get3A_281 : vector<128x1024xf32>
    %mul3A_283 = arith.mulf %dot_general3A_20, %mul3A_276 : vector<128x1024xf32>
    %add3A_284 = arith.addf %mul3A_282, %mul3A_283 : vector<128x1024xf32>
    %add3A_285 = vector.broadcast %get3A_3 : f32 to vector<128x1024xf32>
    %add3A_286 = arith.addf %add3A_284, %add3A_285 : vector<128x1024xf32>
    %swap3A = arith.constant 0 : index
    %swap3A_287 = arith.constant 0 : index
    %swap3A_288 = arith.constant 0 : index
    %swap3A_289 = vector.load %arg7[%swap3A, %swap3A_287, %swap3A_288] : memref<8x128x1024xf32, #tpu.memory_space<vmem>>, vector<1x128x1024xf32>
    %swap3A_290 = vector.shape_cast %swap3A_289 : vector<1x128x1024xf32> to vector<128x1024xf32>
    %swap3A_291 = vector.shape_cast %add3A_286 : vector<128x1024xf32> to vector<1x128x1024xf32>
    tpu.vector_store %arg7[%swap3A, %swap3A_287, %swap3A_288], %swap3A_291 {strides = array<i32>} : memref<8x128x1024xf32, #tpu.memory_space<vmem>>, vector<1x128x1024xf32>,
    %add3A_292 = arith.constant 1 : i32
    %add3A_293 = arith.addi %mul3A_4, %add3A_292 : i32
    %get3A_294 = arith.index_cast %add3A_293 : i32 to index
    %get3A_295 = memref.load %arg1[%get3A_294] : memref<128xi32, #tpu.memory_space<smem>>
    %get3A_296 = arith.index_cast %get3A_295 : i32 to index
    %get3A_297 = arith.constant 0 : index
    %get3A_298 = arith.constant 0 : index
    %get3A_299 = vector.load %arg3[%get3A_296, %get3A_297, %get3A_298] : memref<40x128x32xf32, #tpu.memory_space<vmem>>, vector<1x128x32xf32>
    %get3A_300 = vector.shape_cast %get3A_299 : vector<1x128x32xf32> to vector<128x32xf32>
    %dot_general3A_301 = arith.constant dense<0.000000e+00> : vector<128x1024xf32>
    %dot_general3A_302 = tpu.matmul %get3A_300, %get3A_1, %dot_general3A_301 {dimension_numbers = #tpu.dot_dimension_numbers<[1], [0], [0], [1], [0, 0, 1, 1], [], []>, transpose_lhs_hint = false} : vector<128x32xf32>, vector<32x1024xf32>, vector<128x1024xf32> -> vector<128x1024xf32>
    %get3A_303 = arith.index_cast %get3A_295 : i32 to index
    %get3A_304 = arith.constant 0 : index
    %get3A_305 = arith.constant 0 : index
    %get3A_306 = vector.load %arg4[%get3A_303, %get3A_304, %get3A_305] : memref<40x128x32xf32, #tpu.memory_space<vmem>>, vector<1x128x32xf32>
    %get3A_307 = vector.shape_cast %get3A_306 : vector<1x128x32xf32> to vector<128x32xf32>
    %dot_general3A_308 = arith.constant dense<0.000000e+00> : vector<128x1024xf32>
    %dot_general3A_309 = tpu.matmul %get3A_307, %get3A_1, %dot_general3A_308 {dimension_numbers = #tpu.dot_dimension_numbers<[1], [0], [0], [1], [0, 0, 1, 1], [], []>, transpose_lhs_hint = false} : vector<128x32xf32>, vector<32x1024xf32>, vector<128x1024xf32> -> vector<128x1024xf32>
    %add3A_310 = arith.constant 1 : i32
    %add3A_311 = arith.addi %mul3A_4, %add3A_310 : i32
    %mul3A_312 = arith.constant 131072 : i32
    %mul3A_313 = arith.muli %add3A_311, %mul3A_312 : i32
    %iota3A_314 = tpu.iota {dimensions = array<i32: 0>} : vector<128x1024xi32>
    %iota3A_315 = tpu.iota {dimensions = array<i32: 1>} : vector<128x1024xi32>
    %mul3A_316 = arith.constant 1024 : i32
    %mul3A_317 = vector.broadcast %mul3A_316 : i32 to vector<128x1024xi32>
    %mul3A_318 = arith.muli %iota3A_314, %mul3A_317 : vector<128x1024xi32>
    %add3A_319 = vector.broadcast %mul3A_313 : i32 to vector<128x1024xi32>
    %add3A_320 = arith.addi %add3A_319, %mul3A_318 : vector<128x1024xi32>
    %add3A_321 = arith.addi %add3A_320, %iota3A_315 : vector<128x1024xi32>
    %broadcast_in_dim3A_322 = arith.constant 0 : i32
    %broadcast_in_dim3A_323 = vector.broadcast %broadcast_in_dim3A_322 : i32 to vector<128x1024xi32>
    %add3A_324 = arith.constant 1 : i32
    %add3A_325 = vector.broadcast %add3A_324 : i32 to vector<128x1024xi32>
    %add3A_326 = arith.addi %add3A_321, %add3A_325 : vector<128x1024xi32>
    %add3A_327 = arith.addi %broadcast_in_dim3A_323, %add3A_326 : vector<128x1024xi32>
    %shift_left3A_328 = arith.constant 13 : i32
    %shift_left3A_329 = vector.broadcast %shift_left3A_328 : i32 to vector<128x1024xi32>
    %shift_left3A_330 = arith.shli %add3A_326, %shift_left3A_329 : vector<128x1024xi32>
    %shift_right_logical3A_331 = arith.constant 19 : i32
    %shift_right_logical3A_332 = vector.broadcast %shift_right_logical3A_331 : i32 to vector<128x1024xi32>
    %shift_right_logical3A_333 = arith.shrui %add3A_326, %shift_right_logical3A_332 : vector<128x1024xi32>
    %or3A_334 = arith.ori %shift_left3A_330, %shift_right_logical3A_333 : vector<128x1024xi32>
    %xor3A_335 = arith.xori %or3A_334, %add3A_327 : vector<128x1024xi32>
    %add3A_336 = arith.addi %add3A_327, %xor3A_335 : vector<128x1024xi32>
    %shift_left3A_337 = arith.constant 15 : i32
    %shift_left3A_338 = vector.broadcast %shift_left3A_337 : i32 to vector<128x1024xi32>
    %shift_left3A_339 = arith.shli %xor3A_335, %shift_left3A_338 : vector<128x1024xi32>
    %shift_right_logical3A_340 = arith.constant 17 : i32
    %shift_right_logical3A_341 = vector.broadcast %shift_right_logical3A_340 : i32 to vector<128x1024xi32>
    %shift_right_logical3A_342 = arith.shrui %xor3A_335, %shift_right_logical3A_341 : vector<128x1024xi32>
    %or3A_343 = arith.ori %shift_left3A_339, %shift_right_logical3A_342 : vector<128x1024xi32>
    %xor3A_344 = arith.xori %or3A_343, %add3A_336 : vector<128x1024xi32>
    %add3A_345 = arith.addi %add3A_336, %xor3A_344 : vector<128x1024xi32>
    %shift_left3A_346 = arith.constant 26 : i32
    %shift_left3A_347 = vector.broadcast %shift_left3A_346 : i32 to vector<128x1024xi32>
    %shift_left3A_348 = arith.shli %xor3A_344, %shift_left3A_347 : vector<128x1024xi32>
    %shift_right_logical3A_349 = arith.constant 6 : i32
    %shift_right_logical3A_350 = vector.broadcast %shift_right_logical3A_349 : i32 to vector<128x1024xi32>
    %shift_right_logical3A_351 = arith.shrui %xor3A_344, %shift_right_logical3A_350 : vector<128x1024xi32>
    %or3A_352 = arith.ori %shift_left3A_348, %shift_right_logical3A_351 : vector<128x1024xi32>
    %xor3A_353 = arith.xori %or3A_352, %add3A_345 : vector<128x1024xi32>
    %add3A_354 = arith.addi %add3A_345, %xor3A_353 : vector<128x1024xi32>
    %shift_left3A_355 = arith.constant 6 : i32
    %shift_left3A_356 = vector.broadcast %shift_left3A_355 : i32 to vector<128x1024xi32>
    %shift_left3A_357 = arith.shli %xor3A_353, %shift_left3A_356 : vector<128x1024xi32>
    %shift_right_logical3A_358 = arith.constant 26 : i32
    %shift_right_logical3A_359 = vector.broadcast %shift_right_logical3A_358 : i32 to vector<128x1024xi32>
    %shift_right_logical3A_360 = arith.shrui %xor3A_353, %shift_right_logical3A_359 : vector<128x1024xi32>
    %or3A_361 = arith.ori %shift_left3A_357, %shift_right_logical3A_360 : vector<128x1024xi32>
    %xor3A_362 = arith.xori %or3A_361, %add3A_354 : vector<128x1024xi32>
    %add3A_363 = arith.constant 1 : i32
    %add3A_364 = vector.broadcast %add3A_363 : i32 to vector<128x1024xi32>
    %add3A_365 = arith.addi %add3A_354, %add3A_364 : vector<128x1024xi32>
    %add3A_366 = arith.constant 466688987 : i32
    %add3A_367 = vector.broadcast %add3A_366 : i32 to vector<128x1024xi32>
    %add3A_368 = arith.addi %xor3A_362, %add3A_367 : vector<128x1024xi32>
    %add3A_369 = arith.constant 1 : i32
    %add3A_370 = vector.broadcast %add3A_369 : i32 to vector<128x1024xi32>
    %add3A_371 = arith.addi %add3A_368, %add3A_370 : vector<128x1024xi32>
    %add3A_372 = arith.addi %add3A_365, %add3A_371 : vector<128x1024xi32>
    %shift_left3A_373 = arith.constant 17 : i32
    %shift_left3A_374 = vector.broadcast %shift_left3A_373 : i32 to vector<128x1024xi32>
    %shift_left3A_375 = arith.shli %add3A_371, %shift_left3A_374 : vector<128x1024xi32>
    %shift_right_logical3A_376 = arith.constant 15 : i32
    %shift_right_logical3A_377 = vector.broadcast %shift_right_logical3A_376 : i32 to vector<128x1024xi32>
    %shift_right_logical3A_378 = arith.shrui %add3A_371, %shift_right_logical3A_377 : vector<128x1024xi32>
    %or3A_379 = arith.ori %shift_left3A_375, %shift_right_logical3A_378 : vector<128x1024xi32>
    %xor3A_380 = arith.xori %or3A_379, %add3A_372 : vector<128x1024xi32>
    %add3A_381 = arith.addi %add3A_372, %xor3A_380 : vector<128x1024xi32>
    %shift_left3A_382 = arith.constant 29 : i32
    %shift_left3A_383 = vector.broadcast %shift_left3A_382 : i32 to vector<128x1024xi32>
    %shift_left3A_384 = arith.shli %xor3A_380, %shift_left3A_383 : vector<128x1024xi32>
    %shift_right_logical3A_385 = arith.constant 3 : i32
    %shift_right_logical3A_386 = vector.broadcast %shift_right_logical3A_385 : i32 to vector<128x1024xi32>
    %shift_right_logical3A_387 = arith.shrui %xor3A_380, %shift_right_logical3A_386 : vector<128x1024xi32>
    %or3A_388 = arith.ori %shift_left3A_384, %shift_right_logical3A_387 : vector<128x1024xi32>
    %xor3A_389 = arith.xori %or3A_388, %add3A_381 : vector<128x1024xi32>
    %add3A_390 = arith.addi %add3A_381, %xor3A_389 : vector<128x1024xi32>
    %shift_left3A_391 = arith.constant 16 : i32
    %shift_left3A_392 = vector.broadcast %shift_left3A_391 : i32 to vector<128x1024xi32>
    %shift_left3A_393 = arith.shli %xor3A_389, %shift_left3A_392 : vector<128x1024xi32>
    %shift_right_logical3A_394 = arith.constant 16 : i32
    %shift_right_logical3A_395 = vector.broadcast %shift_right_logical3A_394 : i32 to vector<128x1024xi32>
    %shift_right_logical3A_396 = arith.shrui %xor3A_389, %shift_right_logical3A_395 : vector<128x1024xi32>
    %or3A_397 = arith.ori %shift_left3A_393, %shift_right_logical3A_396 : vector<128x1024xi32>
    %xor3A_398 = arith.xori %or3A_397, %add3A_390 : vector<128x1024xi32>
    %add3A_399 = arith.addi %add3A_390, %xor3A_398 : vector<128x1024xi32>
    %shift_left3A_400 = arith.constant 24 : i32
    %shift_left3A_401 = vector.broadcast %shift_left3A_400 : i32 to vector<128x1024xi32>
    %shift_left3A_402 = arith.shli %xor3A_398, %shift_left3A_401 : vector<128x1024xi32>
    %shift_right_logical3A_403 = arith.constant 8 : i32
    %shift_right_logical3A_404 = vector.broadcast %shift_right_logical3A_403 : i32 to vector<128x1024xi32>
    %shift_right_logical3A_405 = arith.shrui %xor3A_398, %shift_right_logical3A_404 : vector<128x1024xi32>
    %or3A_406 = arith.ori %shift_left3A_402, %shift_right_logical3A_405 : vector<128x1024xi32>
    %xor3A_407 = arith.xori %or3A_406, %add3A_399 : vector<128x1024xi32>
    %add3A_408 = arith.constant 466688987 : i32
    %add3A_409 = vector.broadcast %add3A_408 : i32 to vector<128x1024xi32>
    %add3A_410 = arith.addi %add3A_399, %add3A_409 : vector<128x1024xi32>
    %add3A_411 = arith.constant 0 : i32
    %add3A_412 = vector.broadcast %add3A_411 : i32 to vector<128x1024xi32>
    %add3A_413 = arith.addi %xor3A_407, %add3A_412 : vector<128x1024xi32>
    %add3A_414 = arith.constant 2 : i32
    %add3A_415 = vector.broadcast %add3A_414 : i32 to vector<128x1024xi32>
    %add3A_416 = arith.addi %add3A_413, %add3A_415 : vector<128x1024xi32>
    %add3A_417 = arith.addi %add3A_410, %add3A_416 : vector<128x1024xi32>
    %shift_left3A_418 = arith.constant 13 : i32
    %shift_left3A_419 = vector.broadcast %shift_left3A_418 : i32 to vector<128x1024xi32>
    %shift_left3A_420 = arith.shli %add3A_416, %shift_left3A_419 : vector<128x1024xi32>
    %shift_right_logical3A_421 = arith.constant 19 : i32
    %shift_right_logical3A_422 = vector.broadcast %shift_right_logical3A_421 : i32 to vector<128x1024xi32>
    %shift_right_logical3A_423 = arith.shrui %add3A_416, %shift_right_logical3A_422 : vector<128x1024xi32>
    %or3A_424 = arith.ori %shift_left3A_420, %shift_right_logical3A_423 : vector<128x1024xi32>
    %xor3A_425 = arith.xori %or3A_424, %add3A_417 : vector<128x1024xi32>
    %add3A_426 = arith.addi %add3A_417, %xor3A_425 : vector<128x1024xi32>
    %shift_left3A_427 = arith.constant 15 : i32
    %shift_left3A_428 = vector.broadcast %shift_left3A_427 : i32 to vector<128x1024xi32>
    %shift_left3A_429 = arith.shli %xor3A_425, %shift_left3A_428 : vector<128x1024xi32>
    %shift_right_logical3A_430 = arith.constant 17 : i32
    %shift_right_logical3A_431 = vector.broadcast %shift_right_logical3A_430 : i32 to vector<128x1024xi32>
    %shift_right_logical3A_432 = arith.shrui %xor3A_425, %shift_right_logical3A_431 : vector<128x1024xi32>
    %or3A_433 = arith.ori %shift_left3A_429, %shift_right_logical3A_432 : vector<128x1024xi32>
    %xor3A_434 = arith.xori %or3A_433, %add3A_426 : vector<128x1024xi32>
    %add3A_435 = arith.addi %add3A_426, %xor3A_434 : vector<128x1024xi32>
    %shift_left3A_436 = arith.constant 26 : i32
    %shift_left3A_437 = vector.broadcast %shift_left3A_436 : i32 to vector<128x1024xi32>
    %shift_left3A_438 = arith.shli %xor3A_434, %shift_left3A_437 : vector<128x1024xi32>
    %shift_right_logical3A_439 = arith.constant 6 : i32
    %shift_right_logical3A_440 = vector.broadcast %shift_right_logical3A_439 : i32 to vector<128x1024xi32>
    %shift_right_logical3A_441 = arith.shrui %xor3A_434, %shift_right_logical3A_440 : vector<128x1024xi32>
    %or3A_442 = arith.ori %shift_left3A_438, %shift_right_logical3A_441 : vector<128x1024xi32>
    %xor3A_443 = arith.xori %or3A_442, %add3A_435 : vector<128x1024xi32>
    %add3A_444 = arith.addi %add3A_435, %xor3A_443 : vector<128x1024xi32>
    %shift_left3A_445 = arith.constant 6 : i32
    %shift_left3A_446 = vector.broadcast %shift_left3A_445 : i32 to vector<128x1024xi32>
    %shift_left3A_447 = arith.shli %xor3A_443, %shift_left3A_446 : vector<128x1024xi32>
    %shift_right_logical3A_448 = arith.constant 26 : i32
    %shift_right_logical3A_449 = vector.broadcast %shift_right_logical3A_448 : i32 to vector<128x1024xi32>
    %shift_right_logical3A_450 = arith.shrui %xor3A_443, %shift_right_logical3A_449 : vector<128x1024xi32>
    %or3A_451 = arith.ori %shift_left3A_447, %shift_right_logical3A_450 : vector<128x1024xi32>
    %xor3A_452 = arith.xori %or3A_451, %add3A_444 : vector<128x1024xi32>
    %add3A_453 = arith.constant 0 : i32
    %add3A_454 = vector.broadcast %add3A_453 : i32 to vector<128x1024xi32>
    %add3A_455 = arith.addi %add3A_444, %add3A_454 : vector<128x1024xi32>
    %add3A_456 = arith.constant 1 : i32
    %add3A_457 = vector.broadcast %add3A_456 : i32 to vector<128x1024xi32>
    %add3A_458 = arith.addi %xor3A_452, %add3A_457 : vector<128x1024xi32>
    %add3A_459 = arith.constant 3 : i32
    %add3A_460 = vector.broadcast %add3A_459 : i32 to vector<128x1024xi32>
    %add3A_461 = arith.addi %add3A_458, %add3A_460 : vector<128x1024xi32>
    %add3A_462 = arith.addi %add3A_455, %add3A_461 : vector<128x1024xi32>
    %shift_left3A_463 = arith.constant 17 : i32
    %shift_left3A_464 = vector.broadcast %shift_left3A_463 : i32 to vector<128x1024xi32>
    %shift_left3A_465 = arith.shli %add3A_461, %shift_left3A_464 : vector<128x1024xi32>
    %shift_right_logical3A_466 = arith.constant 15 : i32
    %shift_right_logical3A_467 = vector.broadcast %shift_right_logical3A_466 : i32 to vector<128x1024xi32>
    %shift_right_logical3A_468 = arith.shrui %add3A_461, %shift_right_logical3A_467 : vector<128x1024xi32>
    %or3A_469 = arith.ori %shift_left3A_465, %shift_right_logical3A_468 : vector<128x1024xi32>
    %xor3A_470 = arith.xori %or3A_469, %add3A_462 : vector<128x1024xi32>
    %add3A_471 = arith.addi %add3A_462, %xor3A_470 : vector<128x1024xi32>
    %shift_left3A_472 = arith.constant 29 : i32
    %shift_left3A_473 = vector.broadcast %shift_left3A_472 : i32 to vector<128x1024xi32>
    %shift_left3A_474 = arith.shli %xor3A_470, %shift_left3A_473 : vector<128x1024xi32>
    %shift_right_logical3A_475 = arith.constant 3 : i32
    %shift_right_logical3A_476 = vector.broadcast %shift_right_logical3A_475 : i32 to vector<128x1024xi32>
    %shift_right_logical3A_477 = arith.shrui %xor3A_470, %shift_right_logical3A_476 : vector<128x1024xi32>
    %or3A_478 = arith.ori %shift_left3A_474, %shift_right_logical3A_477 : vector<128x1024xi32>
    %xor3A_479 = arith.xori %or3A_478, %add3A_471 : vector<128x1024xi32>
    %add3A_480 = arith.addi %add3A_471, %xor3A_479 : vector<128x1024xi32>
    %shift_left3A_481 = arith.constant 16 : i32
    %shift_left3A_482 = vector.broadcast %shift_left3A_481 : i32 to vector<128x1024xi32>
    %shift_left3A_483 = arith.shli %xor3A_479, %shift_left3A_482 : vector<128x1024xi32>
    %shift_right_logical3A_484 = arith.constant 16 : i32
    %shift_right_logical3A_485 = vector.broadcast %shift_right_logical3A_484 : i32 to vector<128x1024xi32>
    %shift_right_logical3A_486 = arith.shrui %xor3A_479, %shift_right_logical3A_485 : vector<128x1024xi32>
    %or3A_487 = arith.ori %shift_left3A_483, %shift_right_logical3A_486 : vector<128x1024xi32>
    %xor3A_488 = arith.xori %or3A_487, %add3A_480 : vector<128x1024xi32>
    %add3A_489 = arith.addi %add3A_480, %xor3A_488 : vector<128x1024xi32>
    %shift_left3A_490 = arith.constant 24 : i32
    %shift_left3A_491 = vector.broadcast %shift_left3A_490 : i32 to vector<128x1024xi32>
    %shift_left3A_492 = arith.shli %xor3A_488, %shift_left3A_491 : vector<128x1024xi32>
    %shift_right_logical3A_493 = arith.constant 8 : i32
    %shift_right_logical3A_494 = vector.broadcast %shift_right_logical3A_493 : i32 to vector<128x1024xi32>
    %shift_right_logical3A_495 = arith.shrui %xor3A_488, %shift_right_logical3A_494 : vector<128x1024xi32>
    %or3A_496 = arith.ori %shift_left3A_492, %shift_right_logical3A_495 : vector<128x1024xi32>
    %xor3A_497 = arith.xori %or3A_496, %add3A_489 : vector<128x1024xi32>
    %add3A_498 = arith.constant 1 : i32
    %add3A_499 = vector.broadcast %add3A_498 : i32 to vector<128x1024xi32>
    %add3A_500 = arith.addi %add3A_489, %add3A_499 : vector<128x1024xi32>
    %add3A_501 = arith.constant 466688987 : i32
    %add3A_502 = vector.broadcast %add3A_501 : i32 to vector<128x1024xi32>
    %add3A_503 = arith.addi %xor3A_497, %add3A_502 : vector<128x1024xi32>
    %add3A_504 = arith.constant 4 : i32
    %add3A_505 = vector.broadcast %add3A_504 : i32 to vector<128x1024xi32>
    %add3A_506 = arith.addi %add3A_503, %add3A_505 : vector<128x1024xi32>
    %add3A_507 = arith.addi %add3A_500, %add3A_506 : vector<128x1024xi32>
    %shift_left3A_508 = arith.constant 13 : i32
    %shift_left3A_509 = vector.broadcast %shift_left3A_508 : i32 to vector<128x1024xi32>
    %shift_left3A_510 = arith.shli %add3A_506, %shift_left3A_509 : vector<128x1024xi32>
    %shift_right_logical3A_511 = arith.constant 19 : i32
    %shift_right_logical3A_512 = vector.broadcast %shift_right_logical3A_511 : i32 to vector<128x1024xi32>
    %shift_right_logical3A_513 = arith.shrui %add3A_506, %shift_right_logical3A_512 : vector<128x1024xi32>
    %or3A_514 = arith.ori %shift_left3A_510, %shift_right_logical3A_513 : vector<128x1024xi32>
    %xor3A_515 = arith.xori %or3A_514, %add3A_507 : vector<128x1024xi32>
    %add3A_516 = arith.addi %add3A_507, %xor3A_515 : vector<128x1024xi32>
    %shift_left3A_517 = arith.constant 15 : i32
    %shift_left3A_518 = vector.broadcast %shift_left3A_517 : i32 to vector<128x1024xi32>
    %shift_left3A_519 = arith.shli %xor3A_515, %shift_left3A_518 : vector<128x1024xi32>
    %shift_right_logical3A_520 = arith.constant 17 : i32
    %shift_right_logical3A_521 = vector.broadcast %shift_right_logical3A_520 : i32 to vector<128x1024xi32>
    %shift_right_logical3A_522 = arith.shrui %xor3A_515, %shift_right_logical3A_521 : vector<128x1024xi32>
    %or3A_523 = arith.ori %shift_left3A_519, %shift_right_logical3A_522 : vector<128x1024xi32>
    %xor3A_524 = arith.xori %or3A_523, %add3A_516 : vector<128x1024xi32>
    %add3A_525 = arith.addi %add3A_516, %xor3A_524 : vector<128x1024xi32>
    %shift_left3A_526 = arith.constant 26 : i32
    %shift_left3A_527 = vector.broadcast %shift_left3A_526 : i32 to vector<128x1024xi32>
    %shift_left3A_528 = arith.shli %xor3A_524, %shift_left3A_527 : vector<128x1024xi32>
    %shift_right_logical3A_529 = arith.constant 6 : i32
    %shift_right_logical3A_530 = vector.broadcast %shift_right_logical3A_529 : i32 to vector<128x1024xi32>
    %shift_right_logical3A_531 = arith.shrui %xor3A_524, %shift_right_logical3A_530 : vector<128x1024xi32>
    %or3A_532 = arith.ori %shift_left3A_528, %shift_right_logical3A_531 : vector<128x1024xi32>
    %xor3A_533 = arith.xori %or3A_532, %add3A_525 : vector<128x1024xi32>
    %add3A_534 = arith.addi %add3A_525, %xor3A_533 : vector<128x1024xi32>
    %shift_left3A_535 = arith.constant 6 : i32
    %shift_left3A_536 = vector.broadcast %shift_left3A_535 : i32 to vector<128x1024xi32>
    %shift_left3A_537 = arith.shli %xor3A_533, %shift_left3A_536 : vector<128x1024xi32>
    %shift_right_logical3A_538 = arith.constant 26 : i32
    %shift_right_logical3A_539 = vector.broadcast %shift_right_logical3A_538 : i32 to vector<128x1024xi32>
    %shift_right_logical3A_540 = arith.shrui %xor3A_533, %shift_right_logical3A_539 : vector<128x1024xi32>
    %or3A_541 = arith.ori %shift_left3A_537, %shift_right_logical3A_540 : vector<128x1024xi32>
    %xor3A_542 = arith.xori %or3A_541, %add3A_534 : vector<128x1024xi32>
    %add3A_543 = arith.constant 466688987 : i32
    %add3A_544 = vector.broadcast %add3A_543 : i32 to vector<128x1024xi32>
    %add3A_545 = arith.addi %add3A_534, %add3A_544 : vector<128x1024xi32>
    %add3A_546 = arith.constant 0 : i32
    %add3A_547 = vector.broadcast %add3A_546 : i32 to vector<128x1024xi32>
    %add3A_548 = arith.addi %xor3A_542, %add3A_547 : vector<128x1024xi32>
    %add3A_549 = arith.constant 5 : i32
    %add3A_550 = vector.broadcast %add3A_549 : i32 to vector<128x1024xi32>
    %add3A_551 = arith.addi %add3A_548, %add3A_550 : vector<128x1024xi32>
    %xor3A_552 = arith.xori %add3A_545, %add3A_551 : vector<128x1024xi32>
    %shift_right_logical3A_553 = arith.constant 9 : i32
    %shift_right_logical3A_554 = vector.broadcast %shift_right_logical3A_553 : i32 to vector<128x1024xi32>
    %shift_right_logical3A_555 = arith.shrui %xor3A_552, %shift_right_logical3A_554 : vector<128x1024xi32>
    %or3A_556 = arith.constant 1065353216 : i32
    %or3A_557 = vector.broadcast %or3A_556 : i32 to vector<128x1024xi32>
    %or3A_558 = arith.ori %shift_right_logical3A_555, %or3A_557 : vector<128x1024xi32>
    %bitcast_convert_type3A_559 = tpu.bitcast %or3A_558 : vector<128x1024xi32> -> vector<128x1024xf32>
    %sub3A_560 = arith.constant 1.000000e+00 : f32
    %sub3A_561 = vector.broadcast %sub3A_560 : f32 to vector<128x1024xf32>
    %sub3A_562 = arith.subf %bitcast_convert_type3A_559, %sub3A_561 : vector<128x1024xf32>
    %mul3A_563 = arith.constant 2.000000e+00 : f32
    %mul3A_564 = vector.broadcast %mul3A_563 : f32 to vector<128x1024xf32>
    %mul3A_565 = arith.mulf %sub3A_562, %mul3A_564 : vector<128x1024xf32>
    %add3A_566 = arith.constant -0.99999994 : f32
    %add3A_567 = vector.broadcast %add3A_566 : f32 to vector<128x1024xf32>
    %add3A_568 = arith.addf %mul3A_565, %add3A_567 : vector<128x1024xf32>
    %max3A_569 = arith.constant -0.99999994 : f32
    %max3A_570 = vector.broadcast %max3A_569 : f32 to vector<128x1024xf32>
    %max3A_571 = arith.maximumf %max3A_570, %add3A_568 : vector<128x1024xf32>
    %mul3A_572 = arith.constant 1.41421354 : f32
    %mul3A_573 = vector.broadcast %mul3A_572 : f32 to vector<128x1024xf32>
    %mul3A_574 = arith.mulf %mul3A_573, %max3A_571 : vector<128x1024xf32>
    %get3A_575 = arith.constant 1 : index
    %get3A_576 = arith.constant 0 : index
    %get3A_577 = arith.constant 0 : index
    %get3A_578 = vector.load %arg2[%get3A_575, %get3A_576, %get3A_577] : memref<8x128x1024xf32, #tpu.memory_space<vmem>>, vector<1x128x1024xf32>
    %get3A_579 = vector.shape_cast %get3A_578 : vector<1x128x1024xf32> to vector<128x1024xf32>
    %mul3A_580 = arith.mulf %dot_general3A_302, %get3A_579 : vector<128x1024xf32>
    %mul3A_581 = arith.mulf %dot_general3A_309, %mul3A_574 : vector<128x1024xf32>
    %add3A_582 = arith.addf %mul3A_580, %mul3A_581 : vector<128x1024xf32>
    %add3A_583 = vector.broadcast %get3A_3 : f32 to vector<128x1024xf32>
    %add3A_584 = arith.addf %add3A_582, %add3A_583 : vector<128x1024xf32>
    %swap3A_585 = arith.constant 1 : index
    %swap3A_586 = arith.constant 0 : index
    %swap3A_587 = arith.constant 0 : index
    %swap3A_588 = vector.load %arg7[%swap3A_585, %swap3A_586, %swap3A_587] : memref<8x128x1024xf32, #tpu.memory_space<vmem>>, vector<1x128x1024xf32>
    %swap3A_589 = vector.shape_cast %swap3A_588 : vector<1x128x1024xf32> to vector<128x1024xf32>
    %swap3A_590 = vector.shape_cast %add3A_584 : vector<128x1024xf32> to vector<1x128x1024xf32>
    tpu.vector_store %arg7[%swap3A_585, %swap3A_586, %swap3A_587], %swap3A_590 {strides = array<i32>} : memref<8x128x1024xf32, #tpu.memory_space<vmem>>, vector<1x128x1024xf32>,
    %add3A_591 = arith.constant 2 : i32
    %add3A_592 = arith.addi %mul3A_4, %add3A_591 : i32
    %get3A_593 = arith.index_cast %add3A_592 : i32 to index
    %get3A_594 = memref.load %arg1[%get3A_593] : memref<128xi32, #tpu.memory_space<smem>>
    %get3A_595 = arith.index_cast %get3A_594 : i32 to index
    %get3A_596 = arith.constant 0 : index
    %get3A_597 = arith.constant 0 : index
    %get3A_598 = vector.load %arg3[%get3A_595, %get3A_596, %get3A_597] : memref<40x128x32xf32, #tpu.memory_space<vmem>>, vector<1x128x32xf32>
    %get3A_599 = vector.shape_cast %get3A_598 : vector<1x128x32xf32> to vector<128x32xf32>
    %dot_general3A_600 = arith.constant dense<0.000000e+00> : vector<128x1024xf32>
    %dot_general3A_601 = tpu.matmul %get3A_599, %get3A_1, %dot_general3A_600 {dimension_numbers = #tpu.dot_dimension_numbers<[1], [0], [0], [1], [0, 0, 1, 1], [], []>, transpose_lhs_hint = false} : vector<128x32xf32>, vector<32x1024xf32>, vector<128x1024xf32> -> vector<128x1024xf32>
    %get3A_602 = arith.index_cast %get3A_594 : i32 to index
    %get3A_603 = arith.constant 0 : index
    %get3A_604 = arith.constant 0 : index
    %get3A_605 = vector.load %arg4[%get3A_602, %get3A_603, %get3A_604] : memref<40x128x32xf32, #tpu.memory_space<vmem>>, vector<1x128x32xf32>
    %get3A_606 = vector.shape_cast %get3A_605 : vector<1x128x32xf32> to vector<128x32xf32>
    %dot_general3A_607 = arith.constant dense<0.000000e+00> : vector<128x1024xf32>
    %dot_general3A_608 = tpu.matmul %get3A_606, %get3A_1, %dot_general3A_607 {dimension_numbers = #tpu.dot_dimension_numbers<[1], [0], [0], [1], [0, 0, 1, 1], [], []>, transpose_lhs_hint = false} : vector<128x32xf32>, vector<32x1024xf32>, vector<128x1024xf32> -> vector<128x1024xf32>
    %add3A_609 = arith.constant 2 : i32
    %add3A_610 = arith.addi %mul3A_4, %add3A_609 : i32
    %mul3A_611 = arith.constant 131072 : i32
    %mul3A_612 = arith.muli %add3A_610, %mul3A_611 : i32
    %iota3A_613 = tpu.iota {dimensions = array<i32: 0>} : vector<128x1024xi32>
    %iota3A_614 = tpu.iota {dimensions = array<i32: 1>} : vector<128x1024xi32>
    %mul3A_615 = arith.constant 1024 : i32
    %mul3A_616 = vector.broadcast %mul3A_615 : i32 to vector<128x1024xi32>
    %mul3A_617 = arith.muli %iota3A_613, %mul3A_616 : vector<128x1024xi32>
    %add3A_618 = vector.broadcast %mul3A_612 : i32 to vector<128x1024xi32>
    %add3A_619 = arith.addi %add3A_618, %mul3A_617 : vector<128x1024xi32>
    %add3A_620 = arith.addi %add3A_619, %iota3A_614 : vector<128x1024xi32>
    %broadcast_in_dim3A_621 = arith.constant 0 : i32
    %broadcast_in_dim3A_622 = vector.broadcast %broadcast_in_dim3A_621 : i32 to vector<128x1024xi32>
    %add3A_623 = arith.constant 1 : i32
    %add3A_624 = vector.broadcast %add3A_623 : i32 to vector<128x1024xi32>
    %add3A_625 = arith.addi %add3A_620, %add3A_624 : vector<128x1024xi32>
    %add3A_626 = arith.addi %broadcast_in_dim3A_622, %add3A_625 : vector<128x1024xi32>
    %shift_left3A_627 = arith.constant 13 : i32
    %shift_left3A_628 = vector.broadcast %shift_left3A_627 : i32 to vector<128x1024xi32>
    %shift_left3A_629 = arith.shli %add3A_625, %shift_left3A_628 : vector<128x1024xi32>
    %shift_right_logical3A_630 = arith.constant 19 : i32
    %shift_right_logical3A_631 = vector.broadcast %shift_right_logical3A_630 : i32 to vector<128x1024xi32>
    %shift_right_logical3A_632 = arith.shrui %add3A_625, %shift_right_logical3A_631 : vector<128x1024xi32>
    %or3A_633 = arith.ori %shift_left3A_629, %shift_right_logical3A_632 : vector<128x1024xi32>
    %xor3A_634 = arith.xori %or3A_633, %add3A_626 : vector<128x1024xi32>
    %add3A_635 = arith.addi %add3A_626, %xor3A_634 : vector<128x1024xi32>
    %shift_left3A_636 = arith.constant 15 : i32
    %shift_left3A_637 = vector.broadcast %shift_left3A_636 : i32 to vector<128x1024xi32>
    %shift_left3A_638 = arith.shli %xor3A_634, %shift_left3A_637 : vector<128x1024xi32>
    %shift_right_logical3A_639 = arith.constant 17 : i32
    %shift_right_logical3A_640 = vector.broadcast %shift_right_logical3A_639 : i32 to vector<128x1024xi32>
    %shift_right_logical3A_641 = arith.shrui %xor3A_634, %shift_right_logical3A_640 : vector<128x1024xi32>
    %or3A_642 = arith.ori %shift_left3A_638, %shift_right_logical3A_641 : vector<128x1024xi32>
    %xor3A_643 = arith.xori %or3A_642, %add3A_635 : vector<128x1024xi32>
    %add3A_644 = arith.addi %add3A_635, %xor3A_643 : vector<128x1024xi32>
    %shift_left3A_645 = arith.constant 26 : i32
    %shift_left3A_646 = vector.broadcast %shift_left3A_645 : i32 to vector<128x1024xi32>
    %shift_left3A_647 = arith.shli %xor3A_643, %shift_left3A_646 : vector<128x1024xi32>
    %shift_right_logical3A_648 = arith.constant 6 : i32
    %shift_right_logical3A_649 = vector.broadcast %shift_right_logical3A_648 : i32 to vector<128x1024xi32>
    %shift_right_logical3A_650 = arith.shrui %xor3A_643, %shift_right_logical3A_649 : vector<128x1024xi32>
    %or3A_651 = arith.ori %shift_left3A_647, %shift_right_logical3A_650 : vector<128x1024xi32>
    %xor3A_652 = arith.xori %or3A_651, %add3A_644 : vector<128x1024xi32>
    %add3A_653 = arith.addi %add3A_644, %xor3A_652 : vector<128x1024xi32>
    %shift_left3A_654 = arith.constant 6 : i32
    %shift_left3A_655 = vector.broadcast %shift_left3A_654 : i32 to vector<128x1024xi32>
    %shift_left3A_656 = arith.shli %xor3A_652, %shift_left3A_655 : vector<128x1024xi32>
    %shift_right_logical3A_657 = arith.constant 26 : i32
    %shift_right_logical3A_658 = vector.broadcast %shift_right_logical3A_657 : i32 to vector<128x1024xi32>
    %shift_right_logical3A_659 = arith.shrui %xor3A_652, %shift_right_logical3A_658 : vector<128x1024xi32>
    %or3A_660 = arith.ori %shift_left3A_656, %shift_right_logical3A_659 : vector<128x1024xi32>
    %xor3A_661 = arith.xori %or3A_660, %add3A_653 : vector<128x1024xi32>
    %add3A_662 = arith.constant 1 : i32
    %add3A_663 = vector.broadcast %add3A_662 : i32 to vector<128x1024xi32>
    %add3A_664 = arith.addi %add3A_653, %add3A_663 : vector<128x1024xi32>
    %add3A_665 = arith.constant 466688987 : i32
    %add3A_666 = vector.broadcast %add3A_665 : i32 to vector<128x1024xi32>
    %add3A_667 = arith.addi %xor3A_661, %add3A_666 : vector<128x1024xi32>
    %add3A_668 = arith.constant 1 : i32
    %add3A_669 = vector.broadcast %add3A_668 : i32 to vector<128x1024xi32>
    %add3A_670 = arith.addi %add3A_667, %add3A_669 : vector<128x1024xi32>
    %add3A_671 = arith.addi %add3A_664, %add3A_670 : vector<128x1024xi32>
    %shift_left3A_672 = arith.constant 17 : i32
    %shift_left3A_673 = vector.broadcast %shift_left3A_672 : i32 to vector<128x1024xi32>
    %shift_left3A_674 = arith.shli %add3A_670, %shift_left3A_673 : vector<128x1024xi32>
    %shift_right_logical3A_675 = arith.constant 15 : i32
    %shift_right_logical3A_676 = vector.broadcast %shift_right_logical3A_675 : i32 to vector<128x1024xi32>
    %shift_right_logical3A_677 = arith.shrui %add3A_670, %shift_right_logical3A_676 : vector<128x1024xi32>
    %or3A_678 = arith.ori %shift_left3A_674, %shift_right_logical3A_677 : vector<128x1024xi32>
    %xor3A_679 = arith.xori %or3A_678, %add3A_671 : vector<128x1024xi32>
    %add3A_680 = arith.addi %add3A_671, %xor3A_679 : vector<128x1024xi32>
    %shift_left3A_681 = arith.constant 29 : i32
    %shift_left3A_682 = vector.broadcast %shift_left3A_681 : i32 to vector<128x1024xi32>
    %shift_left3A_683 = arith.shli %xor3A_679, %shift_left3A_682 : vector<128x1024xi32>
    %shift_right_logical3A_684 = arith.constant 3 : i32
    %shift_right_logical3A_685 = vector.broadcast %shift_right_logical3A_684 : i32 to vector<128x1024xi32>
    %shift_right_logical3A_686 = arith.shrui %xor3A_679, %shift_right_logical3A_685 : vector<128x1024xi32>
    %or3A_687 = arith.ori %shift_left3A_683, %shift_right_logical3A_686 : vector<128x1024xi32>
    %xor3A_688 = arith.xori %or3A_687, %add3A_680 : vector<128x1024xi32>
    %add3A_689 = arith.addi %add3A_680, %xor3A_688 : vector<128x1024xi32>
    %shift_left3A_690 = arith.constant 16 : i32
    %shift_left3A_691 = vector.broadcast %shift_left3A_690 : i32 to vector<128x1024xi32>
    %shift_left3A_692 = arith.shli %xor3A_688, %shift_left3A_691 : vector<128x1024xi32>
    %shift_right_logical3A_693 = arith.constant 16 : i32
    %shift_right_logical3A_694 = vector.broadcast %shift_right_logical3A_693 : i32 to vector<128x1024xi32>
    %shift_right_logical3A_695 = arith.shrui %xor3A_688, %shift_right_logical3A_694 : vector<128x1024xi32>
    %or3A_696 = arith.ori %shift_left3A_692, %shift_right_logical3A_695 : vector<128x1024xi32>
    %xor3A_697 = arith.xori %or3A_696, %add3A_689 : vector<128x1024xi32>
    %add3A_698 = arith.addi %add3A_689, %xor3A_697 : vector<128x1024xi32>
    %shift_left3A_699 = arith.constant 24 : i32
    %shift_left3A_700 = vector.broadcast %shift_left3A_699 : i32 to vector<128x1024xi32>
    %shift_left3A_701 = arith.shli %xor3A_697, %shift_left3A_700 : vector<128x1024xi32>
    %shift_right_logical3A_702 = arith.constant 8 : i32
    %shift_right_logical3A_703 = vector.broadcast %shift_right_logical3A_702 : i32 to vector<128x1024xi32>
    %shift_right_logical3A_704 = arith.shrui %xor3A_697, %shift_right_logical3A_703 : vector<128x1024xi32>
    %or3A_705 = arith.ori %shift_left3A_701, %shift_right_logical3A_704 : vector<128x1024xi32>
    %xor3A_706 = arith.xori %or3A_705, %add3A_698 : vector<128x1024xi32>
    %add3A_707 = arith.constant 466688987 : i32
    %add3A_708 = vector.broadcast %add3A_707 : i32 to vector<128x1024xi32>
    %add3A_709 = arith.addi %add3A_698, %add3A_708 : vector<128x1024xi32>
    %add3A_710 = arith.constant 0 : i32
    %add3A_711 = vector.broadcast %add3A_710 : i32 to vector<128x1024xi32>
    %add3A_712 = arith.addi %xor3A_706, %add3A_711 : vector<128x1024xi32>
    %add3A_713 = arith.constant 2 : i32
    %add3A_714 = vector.broadcast %add3A_713 : i32 to vector<128x1024xi32>
    %add3A_715 = arith.addi %add3A_712, %add3A_714 : vector<128x1024xi32>
    %add3A_716 = arith.addi %add3A_709, %add3A_715 : vector<128x1024xi32>
    %shift_left3A_717 = arith.constant 13 : i32
    %shift_left3A_718 = vector.broadcast %shift_left3A_717 : i32 to vector<128x1024xi32>
    %shift_left3A_719 = arith.shli %add3A_715, %shift_left3A_718 : vector<128x1024xi32>
    %shift_right_logical3A_720 = arith.constant 19 : i32
    %shift_right_logical3A_721 = vector.broadcast %shift_right_logical3A_720 : i32 to vector<128x1024xi32>
    %shift_right_logical3A_722 = arith.shrui %add3A_715, %shift_right_logical3A_721 : vector<128x1024xi32>
    %or3A_723 = arith.ori %shift_left3A_719, %shift_right_logical3A_722 : vector<128x1024xi32>
    %xor3A_724 = arith.xori %or3A_723, %add3A_716 : vector<128x1024xi32>
    %add3A_725 = arith.addi %add3A_716, %xor3A_724 : vector<128x1024xi32>
    %shift_left3A_726 = arith.constant 15 : i32
    %shift_left3A_727 = vector.broadcast %shift_left3A_726 : i32 to vector<128x1024xi32>
    %shift_left3A_728 = arith.shli %xor3A_724, %shift_left3A_727 : vector<128x1024xi32>
    %shift_right_logical3A_729 = arith.constant 17 : i32
    %shift_right_logical3A_730 = vector.broadcast %shift_right_logical3A_729 : i32 to vector<128x1024xi32>
    %shift_right_logical3A_731 = arith.shrui %xor3A_724, %shift_right_logical3A_730 : vector<128x1024xi32>
    %or3A_732 = arith.ori %shift_left3A_728, %shift_right_logical3A_731 : vector<128x1024xi32>
    %xor3A_733 = arith.xori %or3A_732, %add3A_725 : vector<128x1024xi32>
    %add3A_734 = arith.addi %add3A_725, %xor3A_733 : vector<128x1024xi32>
    %shift_left3A_735 = arith.constant 26 : i32
    %shift_left3A_736 = vector.broadcast %shift_left3A_735 : i32 to vector<128x1024xi32>
    %shift_left3A_737 = arith.shli %xor3A_733, %shift_left3A_736 : vector<128x1024xi32>
    %shift_right_logical3A_738 = arith.constant 6 : i32
    %shift_right_logical3A_739 = vector.broadcast %shift_right_logical3A_738 : i32 to vector<128x1024xi32>
    %shift_right_logical3A_740 = arith.shrui %xor3A_733, %shift_right_logical3A_739 : vector<128x1024xi32>
    %or3A_741 = arith.ori %shift_left3A_737, %shift_right_logical3A_740 : vector<128x1024xi32>
    %xor3A_742 = arith.xori %or3A_741, %add3A_734 : vector<128x1024xi32>
    %add3A_743 = arith.addi %add3A_734, %xor3A_742 : vector<128x1024xi32>
    %shift_left3A_744 = arith.constant 6 : i32
    %shift_left3A_745 = vector.broadcast %shift_left3A_744 : i32 to vector<128x1024xi32>
    %shift_left3A_746 = arith.shli %xor3A_742, %shift_left3A_745 : vector<128x1024xi32>
    %shift_right_logical3A_747 = arith.constant 26 : i32
    %shift_right_logical3A_748 = vector.broadcast %shift_right_logical3A_747 : i32 to vector<128x1024xi32>
    %shift_right_logical3A_749 = arith.shrui %xor3A_742, %shift_right_logical3A_748 : vector<128x1024xi32>
    %or3A_750 = arith.ori %shift_left3A_746, %shift_right_logical3A_749 : vector<128x1024xi32>
    %xor3A_751 = arith.xori %or3A_750, %add3A_743 : vector<128x1024xi32>
    %add3A_752 = arith.constant 0 : i32
    %add3A_753 = vector.broadcast %add3A_752 : i32 to vector<128x1024xi32>
    %add3A_754 = arith.addi %add3A_743, %add3A_753 : vector<128x1024xi32>
    %add3A_755 = arith.constant 1 : i32
    %add3A_756 = vector.broadcast %add3A_755 : i32 to vector<128x1024xi32>
    %add3A_757 = arith.addi %xor3A_751, %add3A_756 : vector<128x1024xi32>
    %add3A_758 = arith.constant 3 : i32
    %add3A_759 = vector.broadcast %add3A_758 : i32 to vector<128x1024xi32>
    %add3A_760 = arith.addi %add3A_757, %add3A_759 : vector<128x1024xi32>
    %add3A_761 = arith.addi %add3A_754, %add3A_760 : vector<128x1024xi32>
    %shift_left3A_762 = arith.constant 17 : i32
    %shift_left3A_763 = vector.broadcast %shift_left3A_762 : i32 to vector<128x1024xi32>
    %shift_left3A_764 = arith.shli %add3A_760, %shift_left3A_763 : vector<128x1024xi32>
    %shift_right_logical3A_765 = arith.constant 15 : i32
    %shift_right_logical3A_766 = vector.broadcast %shift_right_logical3A_765 : i32 to vector<128x1024xi32>
    %shift_right_logical3A_767 = arith.shrui %add3A_760, %shift_right_logical3A_766 : vector<128x1024xi32>
    %or3A_768 = arith.ori %shift_left3A_764, %shift_right_logical3A_767 : vector<128x1024xi32>
    %xor3A_769 = arith.xori %or3A_768, %add3A_761 : vector<128x1024xi32>
    %add3A_770 = arith.addi %add3A_761, %xor3A_769 : vector<128x1024xi32>
    %shift_left3A_771 = arith.constant 29 : i32
    %shift_left3A_772 = vector.broadcast %shift_left3A_771 : i32 to vector<128x1024xi32>
    %shift_left3A_773 = arith.shli %xor3A_769, %shift_left3A_772 : vector<128x1024xi32>
    %shift_right_logical3A_774 = arith.constant 3 : i32
    %shift_right_logical3A_775 = vector.broadcast %shift_right_logical3A_774 : i32 to vector<128x1024xi32>
    %shift_right_logical3A_776 = arith.shrui %xor3A_769, %shift_right_logical3A_775 : vector<128x1024xi32>
    %or3A_777 = arith.ori %shift_left3A_773, %shift_right_logical3A_776 : vector<128x1024xi32>
    %xor3A_778 = arith.xori %or3A_777, %add3A_770 : vector<128x1024xi32>
    %add3A_779 = arith.addi %add3A_770, %xor3A_778 : vector<128x1024xi32>
    %shift_left3A_780 = arith.constant 16 : i32
    %shift_left3A_781 = vector.broadcast %shift_left3A_780 : i32 to vector<128x1024xi32>
    %shift_left3A_782 = arith.shli %xor3A_778, %shift_left3A_781 : vector<128x1024xi32>
    %shift_right_logical3A_783 = arith.constant 16 : i32
    %shift_right_logical3A_784 = vector.broadcast %shift_right_logical3A_783 : i32 to vector<128x1024xi32>
    %shift_right_logical3A_785 = arith.shrui %xor3A_778, %shift_right_logical3A_784 : vector<128x1024xi32>
    %or3A_786 = arith.ori %shift_left3A_782, %shift_right_logical3A_785 : vector<128x1024xi32>
    %xor3A_787 = arith.xori %or3A_786, %add3A_779 : vector<128x1024xi32>
    %add3A_788 = arith.addi %add3A_779, %xor3A_787 : vector<128x1024xi32>
    %shift_left3A_789 = arith.constant 24 : i32
    %shift_left3A_790 = vector.broadcast %shift_left3A_789 : i32 to vector<128x1024xi32>
    %shift_left3A_791 = arith.shli %xor3A_787, %shift_left3A_790 : vector<128x1024xi32>
    %shift_right_logical3A_792 = arith.constant 8 : i32
    %shift_right_logical3A_793 = vector.broadcast %shift_right_logical3A_792 : i32 to vector<128x1024xi32>
    %shift_right_logical3A_794 = arith.shrui %xor3A_787, %shift_right_logical3A_793 : vector<128x1024xi32>
    %or3A_795 = arith.ori %shift_left3A_791, %shift_right_logical3A_794 : vector<128x1024xi32>
    %xor3A_796 = arith.xori %or3A_795, %add3A_788 : vector<128x1024xi32>
    %add3A_797 = arith.constant 1 : i32
    %add3A_798 = vector.broadcast %add3A_797 : i32 to vector<128x1024xi32>
    %add3A_799 = arith.addi %add3A_788, %add3A_798 : vector<128x1024xi32>
    %add3A_800 = arith.constant 466688987 : i32
    %add3A_801 = vector.broadcast %add3A_800 : i32 to vector<128x1024xi32>
    %add3A_802 = arith.addi %xor3A_796, %add3A_801 : vector<128x1024xi32>
    %add3A_803 = arith.constant 4 : i32
    %add3A_804 = vector.broadcast %add3A_803 : i32 to vector<128x1024xi32>
    %add3A_805 = arith.addi %add3A_802, %add3A_804 : vector<128x1024xi32>
    %add3A_806 = arith.addi %add3A_799, %add3A_805 : vector<128x1024xi32>
    %shift_left3A_807 = arith.constant 13 : i32
    %shift_left3A_808 = vector.broadcast %shift_left3A_807 : i32 to vector<128x1024xi32>
    %shift_left3A_809 = arith.shli %add3A_805, %shift_left3A_808 : vector<128x1024xi32>
    %shift_right_logical3A_810 = arith.constant 19 : i32
    %shift_right_logical3A_811 = vector.broadcast %shift_right_logical3A_810 : i32 to vector<128x1024xi32>
    %shift_right_logical3A_812 = arith.shrui %add3A_805, %shift_right_logical3A_811 : vector<128x1024xi32>
    %or3A_813 = arith.ori %shift_left3A_809, %shift_right_logical3A_812 : vector<128x1024xi32>
    %xor3A_814 = arith.xori %or3A_813, %add3A_806 : vector<128x1024xi32>
    %add3A_815 = arith.addi %add3A_806, %xor3A_814 : vector<128x1024xi32>
    %shift_left3A_816 = arith.constant 15 : i32
    %shift_left3A_817 = vector.broadcast %shift_left3A_816 : i32 to vector<128x1024xi32>
    %shift_left3A_818 = arith.shli %xor3A_814, %shift_left3A_817 : vector<128x1024xi32>
    %shift_right_logical3A_819 = arith.constant 17 : i32
    %shift_right_logical3A_820 = vector.broadcast %shift_right_logical3A_819 : i32 to vector<128x1024xi32>
    %shift_right_logical3A_821 = arith.shrui %xor3A_814, %shift_right_logical3A_820 : vector<128x1024xi32>
    %or3A_822 = arith.ori %shift_left3A_818, %shift_right_logical3A_821 : vector<128x1024xi32>
    %xor3A_823 = arith.xori %or3A_822, %add3A_815 : vector<128x1024xi32>
    %add3A_824 = arith.addi %add3A_815, %xor3A_823 : vector<128x1024xi32>
    %shift_left3A_825 = arith.constant 26 : i32
    %shift_left3A_826 = vector.broadcast %shift_left3A_825 : i32 to vector<128x1024xi32>
    %shift_left3A_827 = arith.shli %xor3A_823, %shift_left3A_826 : vector<128x1024xi32>
    %shift_right_logical3A_828 = arith.constant 6 : i32
    %shift_right_logical3A_829 = vector.broadcast %shift_right_logical3A_828 : i32 to vector<128x1024xi32>
    %shift_right_logical3A_830 = arith.shrui %xor3A_823, %shift_right_logical3A_829 : vector<128x1024xi32>
    %or3A_831 = arith.ori %shift_left3A_827, %shift_right_logical3A_830 : vector<128x1024xi32>
    %xor3A_832 = arith.xori %or3A_831, %add3A_824 : vector<128x1024xi32>
    %add3A_833 = arith.addi %add3A_824, %xor3A_832 : vector<128x1024xi32>
    %shift_left3A_834 = arith.constant 6 : i32
    %shift_left3A_835 = vector.broadcast %shift_left3A_834 : i32 to vector<128x1024xi32>
    %shift_left3A_836 = arith.shli %xor3A_832, %shift_left3A_835 : vector<128x1024xi32>
    %shift_right_logical3A_837 = arith.constant 26 : i32
    %shift_right_logical3A_838 = vector.broadcast %shift_right_logical3A_837 : i32 to vector<128x1024xi32>
    %shift_right_logical3A_839 = arith.shrui %xor3A_832, %shift_right_logical3A_838 : vector<128x1024xi32>
    %or3A_840 = arith.ori %shift_left3A_836, %shift_right_logical3A_839 : vector<128x1024xi32>
    %xor3A_841 = arith.xori %or3A_840, %add3A_833 : vector<128x1024xi32>
    %add3A_842 = arith.constant 466688987 : i32
    %add3A_843 = vector.broadcast %add3A_842 : i32 to vector<128x1024xi32>
    %add3A_844 = arith.addi %add3A_833, %add3A_843 : vector<128x1024xi32>
    %add3A_845 = arith.constant 0 : i32
    %add3A_846 = vector.broadcast %add3A_845 : i32 to vector<128x1024xi32>
    %add3A_847 = arith.addi %xor3A_841, %add3A_846 : vector<128x1024xi32>
    %add3A_848 = arith.constant 5 : i32
    %add3A_849 = vector.broadcast %add3A_848 : i32 to vector<128x1024xi32>
    %add3A_850 = arith.addi %add3A_847, %add3A_849 : vector<128x1024xi32>
    %xor3A_851 = arith.xori %add3A_844, %add3A_850 : vector<128x1024xi32>
    %shift_right_logical3A_852 = arith.constant 9 : i32
    %shift_right_logical3A_853 = vector.broadcast %shift_right_logical3A_852 : i32 to vector<128x1024xi32>
    %shift_right_logical3A_854 = arith.shrui %xor3A_851, %shift_right_logical3A_853 : vector<128x1024xi32>
    %or3A_855 = arith.constant 1065353216 : i32
    %or3A_856 = vector.broadcast %or3A_855 : i32 to vector<128x1024xi32>
    %or3A_857 = arith.ori %shift_right_logical3A_854, %or3A_856 : vector<128x1024xi32>
    %bitcast_convert_type3A_858 = tpu.bitcast %or3A_857 : vector<128x1024xi32> -> vector<128x1024xf32>
    %sub3A_859 = arith.constant 1.000000e+00 : f32
    %sub3A_860 = vector.broadcast %sub3A_859 : f32 to vector<128x1024xf32>
    %sub3A_861 = arith.subf %bitcast_convert_type3A_858, %sub3A_860 : vector<128x1024xf32>
    %mul3A_862 = arith.constant 2.000000e+00 : f32
    %mul3A_863 = vector.broadcast %mul3A_862 : f32 to vector<128x1024xf32>
    %mul3A_864 = arith.mulf %sub3A_861, %mul3A_863 : vector<128x1024xf32>
    %add3A_865 = arith.constant -0.99999994 : f32
    %add3A_866 = vector.broadcast %add3A_865 : f32 to vector<128x1024xf32>
    %add3A_867 = arith.addf %mul3A_864, %add3A_866 : vector<128x1024xf32>
    %max3A_868 = arith.constant -0.99999994 : f32
    %max3A_869 = vector.broadcast %max3A_868 : f32 to vector<128x1024xf32>
    %max3A_870 = arith.maximumf %max3A_869, %add3A_867 : vector<128x1024xf32>
    %mul3A_871 = arith.constant 1.41421354 : f32
    %mul3A_872 = vector.broadcast %mul3A_871 : f32 to vector<128x1024xf32>
    %mul3A_873 = arith.mulf %mul3A_872, %max3A_870 : vector<128x1024xf32>
    %get3A_874 = arith.constant 2 : index
    %get3A_875 = arith.constant 0 : index
    %get3A_876 = arith.constant 0 : index
    %get3A_877 = vector.load %arg2[%get3A_874, %get3A_875, %get3A_876] : memref<8x128x1024xf32, #tpu.memory_space<vmem>>, vector<1x128x1024xf32>
    %get3A_878 = vector.shape_cast %get3A_877 : vector<1x128x1024xf32> to vector<128x1024xf32>
    %mul3A_879 = arith.mulf %dot_general3A_601, %get3A_878 : vector<128x1024xf32>
    %mul3A_880 = arith.mulf %dot_general3A_608, %mul3A_873 : vector<128x1024xf32>
    %add3A_881 = arith.addf %mul3A_879, %mul3A_880 : vector<128x1024xf32>
    %add3A_882 = vector.broadcast %get3A_3 : f32 to vector<128x1024xf32>
    %add3A_883 = arith.addf %add3A_881, %add3A_882 : vector<128x1024xf32>
    %swap3A_884 = arith.constant 2 : index
    %swap3A_885 = arith.constant 0 : index
    %swap3A_886 = arith.constant 0 : index
    %swap3A_887 = vector.load %arg7[%swap3A_884, %swap3A_885, %swap3A_886] : memref<8x128x1024xf32, #tpu.memory_space<vmem>>, vector<1x128x1024xf32>
    %swap3A_888 = vector.shape_cast %swap3A_887 : vector<1x128x1024xf32> to vector<128x1024xf32>
    %swap3A_889 = vector.shape_cast %add3A_883 : vector<128x1024xf32> to vector<1x128x1024xf32>
    tpu.vector_store %arg7[%swap3A_884, %swap3A_885, %swap3A_886], %swap3A_889 {strides = array<i32>} : memref<8x128x1024xf32, #tpu.memory_space<vmem>>, vector<1x128x1024xf32>,
    %add3A_890 = arith.constant 3 : i32
    %add3A_891 = arith.addi %mul3A_4, %add3A_890 : i32
    %get3A_892 = arith.index_cast %add3A_891 : i32 to index
    %get3A_893 = memref.load %arg1[%get3A_892] : memref<128xi32, #tpu.memory_space<smem>>
    %get3A_894 = arith.index_cast %get3A_893 : i32 to index
    %get3A_895 = arith.constant 0 : index
    %get3A_896 = arith.constant 0 : index
    %get3A_897 = vector.load %arg3[%get3A_894, %get3A_895, %get3A_896] : memref<40x128x32xf32, #tpu.memory_space<vmem>>, vector<1x128x32xf32>
    %get3A_898 = vector.shape_cast %get3A_897 : vector<1x128x32xf32> to vector<128x32xf32>
    %dot_general3A_899 = arith.constant dense<0.000000e+00> : vector<128x1024xf32>
    %dot_general3A_900 = tpu.matmul %get3A_898, %get3A_1, %dot_general3A_899 {dimension_numbers = #tpu.dot_dimension_numbers<[1], [0], [0], [1], [0, 0, 1, 1], [], []>, transpose_lhs_hint = false} : vector<128x32xf32>, vector<32x1024xf32>, vector<128x1024xf32> -> vector<128x1024xf32>
    %get3A_901 = arith.index_cast %get3A_893 : i32 to index
    %get3A_902 = arith.constant 0 : index
    %get3A_903 = arith.constant 0 : index
    %get3A_904 = vector.load %arg4[%get3A_901, %get3A_902, %get3A_903] : memref<40x128x32xf32, #tpu.memory_space<vmem>>, vector<1x128x32xf32>
    %get3A_905 = vector.shape_cast %get3A_904 : vector<1x128x32xf32> to vector<128x32xf32>
    %dot_general3A_906 = arith.constant dense<0.000000e+00> : vector<128x1024xf32>
    %dot_general3A_907 = tpu.matmul %get3A_905, %get3A_1, %dot_general3A_906 {dimension_numbers = #tpu.dot_dimension_numbers<[1], [0], [0], [1], [0, 0, 1, 1], [], []>, transpose_lhs_hint = false} : vector<128x32xf32>, vector<32x1024xf32>, vector<128x1024xf32> -> vector<128x1024xf32>
    %add3A_908 = arith.constant 3 : i32
    %add3A_909 = arith.addi %mul3A_4, %add3A_908 : i32
    %mul3A_910 = arith.constant 131072 : i32
    %mul3A_911 = arith.muli %add3A_909, %mul3A_910 : i32
    %iota3A_912 = tpu.iota {dimensions = array<i32: 0>} : vector<128x1024xi32>
    %iota3A_913 = tpu.iota {dimensions = array<i32: 1>} : vector<128x1024xi32>
    %mul3A_914 = arith.constant 1024 : i32
    %mul3A_915 = vector.broadcast %mul3A_914 : i32 to vector<128x1024xi32>
    %mul3A_916 = arith.muli %iota3A_912, %mul3A_915 : vector<128x1024xi32>
    %add3A_917 = vector.broadcast %mul3A_911 : i32 to vector<128x1024xi32>
    %add3A_918 = arith.addi %add3A_917, %mul3A_916 : vector<128x1024xi32>
    %add3A_919 = arith.addi %add3A_918, %iota3A_913 : vector<128x1024xi32>
    %broadcast_in_dim3A_920 = arith.constant 0 : i32
    %broadcast_in_dim3A_921 = vector.broadcast %broadcast_in_dim3A_920 : i32 to vector<128x1024xi32>
    %add3A_922 = arith.constant 1 : i32
    %add3A_923 = vector.broadcast %add3A_922 : i32 to vector<128x1024xi32>
    %add3A_924 = arith.addi %add3A_919, %add3A_923 : vector<128x1024xi32>
    %add3A_925 = arith.addi %broadcast_in_dim3A_921, %add3A_924 : vector<128x1024xi32>
    %shift_left3A_926 = arith.constant 13 : i32
    %shift_left3A_927 = vector.broadcast %shift_left3A_926 : i32 to vector<128x1024xi32>
    %shift_left3A_928 = arith.shli %add3A_924, %shift_left3A_927 : vector<128x1024xi32>
    %shift_right_logical3A_929 = arith.constant 19 : i32
    %shift_right_logical3A_930 = vector.broadcast %shift_right_logical3A_929 : i32 to vector<128x1024xi32>
    %shift_right_logical3A_931 = arith.shrui %add3A_924, %shift_right_logical3A_930 : vector<128x1024xi32>
    %or3A_932 = arith.ori %shift_left3A_928, %shift_right_logical3A_931 : vector<128x1024xi32>
    %xor3A_933 = arith.xori %or3A_932, %add3A_925 : vector<128x1024xi32>
    %add3A_934 = arith.addi %add3A_925, %xor3A_933 : vector<128x1024xi32>
    %shift_left3A_935 = arith.constant 15 : i32
    %shift_left3A_936 = vector.broadcast %shift_left3A_935 : i32 to vector<128x1024xi32>
    %shift_left3A_937 = arith.shli %xor3A_933, %shift_left3A_936 : vector<128x1024xi32>
    %shift_right_logical3A_938 = arith.constant 17 : i32
    %shift_right_logical3A_939 = vector.broadcast %shift_right_logical3A_938 : i32 to vector<128x1024xi32>
    %shift_right_logical3A_940 = arith.shrui %xor3A_933, %shift_right_logical3A_939 : vector<128x1024xi32>
    %or3A_941 = arith.ori %shift_left3A_937, %shift_right_logical3A_940 : vector<128x1024xi32>
    %xor3A_942 = arith.xori %or3A_941, %add3A_934 : vector<128x1024xi32>
    %add3A_943 = arith.addi %add3A_934, %xor3A_942 : vector<128x1024xi32>
    %shift_left3A_944 = arith.constant 26 : i32
    %shift_left3A_945 = vector.broadcast %shift_left3A_944 : i32 to vector<128x1024xi32>
    %shift_left3A_946 = arith.shli %xor3A_942, %shift_left3A_945 : vector<128x1024xi32>
    %shift_right_logical3A_947 = arith.constant 6 : i32
    %shift_right_logical3A_948 = vector.broadcast %shift_right_logical3A_947 : i32 to vector<128x1024xi32>
    %shift_right_logical3A_949 = arith.shrui %xor3A_942, %shift_right_logical3A_948 : vector<128x1024xi32>
    %or3A_950 = arith.ori %shift_left3A_946, %shift_right_logical3A_949 : vector<128x1024xi32>
    %xor3A_951 = arith.xori %or3A_950, %add3A_943 : vector<128x1024xi32>
    %add3A_952 = arith.addi %add3A_943, %xor3A_951 : vector<128x1024xi32>
    %shift_left3A_953 = arith.constant 6 : i32
    %shift_left3A_954 = vector.broadcast %shift_left3A_953 : i32 to vector<128x1024xi32>
    %shift_left3A_955 = arith.shli %xor3A_951, %shift_left3A_954 : vector<128x1024xi32>
    %shift_right_logical3A_956 = arith.constant 26 : i32
    %shift_right_logical3A_957 = vector.broadcast %shift_right_logical3A_956 : i32 to vector<128x1024xi32>
    %shift_right_logical3A_958 = arith.shrui %xor3A_951, %shift_right_logical3A_957 : vector<128x1024xi32>
    %or3A_959 = arith.ori %shift_left3A_955, %shift_right_logical3A_958 : vector<128x1024xi32>
    %xor3A_960 = arith.xori %or3A_959, %add3A_952 : vector<128x1024xi32>
    %add3A_961 = arith.constant 1 : i32
    %add3A_962 = vector.broadcast %add3A_961 : i32 to vector<128x1024xi32>
    %add3A_963 = arith.addi %add3A_952, %add3A_962 : vector<128x1024xi32>
    %add3A_964 = arith.constant 466688987 : i32
    %add3A_965 = vector.broadcast %add3A_964 : i32 to vector<128x1024xi32>
    %add3A_966 = arith.addi %xor3A_960, %add3A_965 : vector<128x1024xi32>
    %add3A_967 = arith.constant 1 : i32
    %add3A_968 = vector.broadcast %add3A_967 : i32 to vector<128x1024xi32>
    %add3A_969 = arith.addi %add3A_966, %add3A_968 : vector<128x1024xi32>
    %add3A_970 = arith.addi %add3A_963, %add3A_969 : vector<128x1024xi32>
    %shift_left3A_971 = arith.constant 17 : i32
    %shift_left3A_972 = vector.broadcast %shift_left3A_971 : i32 to vector<128x1024xi32>
    %shift_left3A_973 = arith.shli %add3A_969, %shift_left3A_972 : vector<128x1024xi32>
    %shift_right_logical3A_974 = arith.constant 15 : i32
    %shift_right_logical3A_975 = vector.broadcast %shift_right_logical3A_974 : i32 to vector<128x1024xi32>
    %shift_right_logical3A_976 = arith.shrui %add3A_969, %shift_right_logical3A_975 : vector<128x1024xi32>
    %or3A_977 = arith.ori %shift_left3A_973, %shift_right_logical3A_976 : vector<128x1024xi32>
    %xor3A_978 = arith.xori %or3A_977, %add3A_970 : vector<128x1024xi32>
    %add3A_979 = arith.addi %add3A_970, %xor3A_978 : vector<128x1024xi32>
    %shift_left3A_980 = arith.constant 29 : i32
    %shift_left3A_981 = vector.broadcast %shift_left3A_980 : i32 to vector<128x1024xi32>
    %shift_left3A_982 = arith.shli %xor3A_978, %shift_left3A_981 : vector<128x1024xi32>
    %shift_right_logical3A_983 = arith.constant 3 : i32
    %shift_right_logical3A_984 = vector.broadcast %shift_right_logical3A_983 : i32 to vector<128x1024xi32>
    %shift_right_logical3A_985 = arith.shrui %xor3A_978, %shift_right_logical3A_984 : vector<128x1024xi32>
    %or3A_986 = arith.ori %shift_left3A_982, %shift_right_logical3A_985 : vector<128x1024xi32>
    %xor3A_987 = arith.xori %or3A_986, %add3A_979 : vector<128x1024xi32>
    %add3A_988 = arith.addi %add3A_979, %xor3A_987 : vector<128x1024xi32>
    %shift_left3A_989 = arith.constant 16 : i32
    %shift_left3A_990 = vector.broadcast %shift_left3A_989 : i32 to vector<128x1024xi32>
    %shift_left3A_991 = arith.shli %xor3A_987, %shift_left3A_990 : vector<128x1024xi32>
    %shift_right_logical3A_992 = arith.constant 16 : i32
    %shift_right_logical3A_993 = vector.broadcast %shift_right_logical3A_992 : i32 to vector<128x1024xi32>
    %shift_right_logical3A_994 = arith.shrui %xor3A_987, %shift_right_logical3A_993 : vector<128x1024xi32>
    %or3A_995 = arith.ori %shift_left3A_991, %shift_right_logical3A_994 : vector<128x1024xi32>
    %xor3A_996 = arith.xori %or3A_995, %add3A_988 : vector<128x1024xi32>
    %add3A_997 = arith.addi %add3A_988, %xor3A_996 : vector<128x1024xi32>
    %shift_left3A_998 = arith.constant 24 : i32
    %shift_left3A_999 = vector.broadcast %shift_left3A_998 : i32 to vector<128x1024xi32>
    %shift_left3A_1000 = arith.shli %xor3A_996, %shift_left3A_999 : vector<128x1024xi32>
    %shift_right_logical3A_1001 = arith.constant 8 : i32
    %shift_right_logical3A_1002 = vector.broadcast %shift_right_logical3A_1001 : i32 to vector<128x1024xi32>
    %shift_right_logical3A_1003 = arith.shrui %xor3A_996, %shift_right_logical3A_1002 : vector<128x1024xi32>
    %or3A_1004 = arith.ori %shift_left3A_1000, %shift_right_logical3A_1003 : vector<128x1024xi32>
    %xor3A_1005 = arith.xori %or3A_1004, %add3A_997 : vector<128x1024xi32>
    %add3A_1006 = arith.constant 466688987 : i32
    %add3A_1007 = vector.broadcast %add3A_1006 : i32 to vector<128x1024xi32>
    %add3A_1008 = arith.addi %add3A_997, %add3A_1007 : vector<128x1024xi32>
    %add3A_1009 = arith.constant 0 : i32
    %add3A_1010 = vector.broadcast %add3A_1009 : i32 to vector<128x1024xi32>
    %add3A_1011 = arith.addi %xor3A_1005, %add3A_1010 : vector<128x1024xi32>
    %add3A_1012 = arith.constant 2 : i32
    %add3A_1013 = vector.broadcast %add3A_1012 : i32 to vector<128x1024xi32>
    %add3A_1014 = arith.addi %add3A_1011, %add3A_1013 : vector<128x1024xi32>
    %add3A_1015 = arith.addi %add3A_1008, %add3A_1014 : vector<128x1024xi32>
    %shift_left3A_1016 = arith.constant 13 : i32
    %shift_left3A_1017 = vector.broadcast %shift_left3A_1016 : i32 to vector<128x1024xi32>
    %shift_left3A_1018 = arith.shli %add3A_1014, %shift_left3A_1017 : vector<128x1024xi32>
    %shift_right_logical3A_1019 = arith.constant 19 : i32
    %shift_right_logical3A_1020 = vector.broadcast %shift_right_logical3A_1019 : i32 to vector<128x1024xi32>
    %shift_right_logical3A_1021 = arith.shrui %add3A_1014, %shift_right_logical3A_1020 : vector<128x1024xi32>
    %or3A_1022 = arith.ori %shift_left3A_1018, %shift_right_logical3A_1021 : vector<128x1024xi32>
    %xor3A_1023 = arith.xori %or3A_1022, %add3A_1015 : vector<128x1024xi32>
    %add3A_1024 = arith.addi %add3A_1015, %xor3A_1023 : vector<128x1024xi32>
    %shift_left3A_1025 = arith.constant 15 : i32
    %shift_left3A_1026 = vector.broadcast %shift_left3A_1025 : i32 to vector<128x1024xi32>
    %shift_left3A_1027 = arith.shli %xor3A_1023, %shift_left3A_1026 : vector<128x1024xi32>
    %shift_right_logical3A_1028 = arith.constant 17 : i32
    %shift_right_logical3A_1029 = vector.broadcast %shift_right_logical3A_1028 : i32 to vector<128x1024xi32>
    %shift_right_logical3A_1030 = arith.shrui %xor3A_1023, %shift_right_logical3A_1029 : vector<128x1024xi32>
    %or3A_1031 = arith.ori %shift_left3A_1027, %shift_right_logical3A_1030 : vector<128x1024xi32>
    %xor3A_1032 = arith.xori %or3A_1031, %add3A_1024 : vector<128x1024xi32>
    %add3A_1033 = arith.addi %add3A_1024, %xor3A_1032 : vector<128x1024xi32>
    %shift_left3A_1034 = arith.constant 26 : i32
    %shift_left3A_1035 = vector.broadcast %shift_left3A_1034 : i32 to vector<128x1024xi32>
    %shift_left3A_1036 = arith.shli %xor3A_1032, %shift_left3A_1035 : vector<128x1024xi32>
    %shift_right_logical3A_1037 = arith.constant 6 : i32
    %shift_right_logical3A_1038 = vector.broadcast %shift_right_logical3A_1037 : i32 to vector<128x1024xi32>
    %shift_right_logical3A_1039 = arith.shrui %xor3A_1032, %shift_right_logical3A_1038 : vector<128x1024xi32>
    %or3A_1040 = arith.ori %shift_left3A_1036, %shift_right_logical3A_1039 : vector<128x1024xi32>
    %xor3A_1041 = arith.xori %or3A_1040, %add3A_1033 : vector<128x1024xi32>
    %add3A_1042 = arith.addi %add3A_1033, %xor3A_1041 : vector<128x1024xi32>
    %shift_left3A_1043 = arith.constant 6 : i32
    %shift_left3A_1044 = vector.broadcast %shift_left3A_1043 : i32 to vector<128x1024xi32>
    %shift_left3A_1045 = arith.shli %xor3A_1041, %shift_left3A_1044 : vector<128x1024xi32>
    %shift_right_logical3A_1046 = arith.constant 26 : i32
    %shift_right_logical3A_1047 = vector.broadcast %shift_right_logical3A_1046 : i32 to vector<128x1024xi32>
    %shift_right_logical3A_1048 = arith.shrui %xor3A_1041, %shift_right_logical3A_1047 : vector<128x1024xi32>
    %or3A_1049 = arith.ori %shift_left3A_1045, %shift_right_logical3A_1048 : vector<128x1024xi32>
    %xor3A_1050 = arith.xori %or3A_1049, %add3A_1042 : vector<128x1024xi32>
    %add3A_1051 = arith.constant 0 : i32
    %add3A_1052 = vector.broadcast %add3A_1051 : i32 to vector<128x1024xi32>
    %add3A_1053 = arith.addi %add3A_1042, %add3A_1052 : vector<128x1024xi32>
    %add3A_1054 = arith.constant 1 : i32
    %add3A_1055 = vector.broadcast %add3A_1054 : i32 to vector<128x1024xi32>
    %add3A_1056 = arith.addi %xor3A_1050, %add3A_1055 : vector<128x1024xi32>
    %add3A_1057 = arith.constant 3 : i32
    %add3A_1058 = vector.broadcast %add3A_1057 : i32 to vector<128x1024xi32>
    %add3A_1059 = arith.addi %add3A_1056, %add3A_1058 : vector<128x1024xi32>
    %add3A_1060 = arith.addi %add3A_1053, %add3A_1059 : vector<128x1024xi32>
    %shift_left3A_1061 = arith.constant 17 : i32
    %shift_left3A_1062 = vector.broadcast %shift_left3A_1061 : i32 to vector<128x1024xi32>
    %shift_left3A_1063 = arith.shli %add3A_1059, %shift_left3A_1062 : vector<128x1024xi32>
    %shift_right_logical3A_1064 = arith.constant 15 : i32
    %shift_right_logical3A_1065 = vector.broadcast %shift_right_logical3A_1064 : i32 to vector<128x1024xi32>
    %shift_right_logical3A_1066 = arith.shrui %add3A_1059, %shift_right_logical3A_1065 : vector<128x1024xi32>
    %or3A_1067 = arith.ori %shift_left3A_1063, %shift_right_logical3A_1066 : vector<128x1024xi32>
    %xor3A_1068 = arith.xori %or3A_1067, %add3A_1060 : vector<128x1024xi32>
    %add3A_1069 = arith.addi %add3A_1060, %xor3A_1068 : vector<128x1024xi32>
    %shift_left3A_1070 = arith.constant 29 : i32
    %shift_left3A_1071 = vector.broadcast %shift_left3A_1070 : i32 to vector<128x1024xi32>
    %shift_left3A_1072 = arith.shli %xor3A_1068, %shift_left3A_1071 : vector<128x1024xi32>
    %shift_right_logical3A_1073 = arith.constant 3 : i32
    %shift_right_logical3A_1074 = vector.broadcast %shift_right_logical3A_1073 : i32 to vector<128x1024xi32>
    %shift_right_logical3A_1075 = arith.shrui %xor3A_1068, %shift_right_logical3A_1074 : vector<128x1024xi32>
    %or3A_1076 = arith.ori %shift_left3A_1072, %shift_right_logical3A_1075 : vector<128x1024xi32>
    %xor3A_1077 = arith.xori %or3A_1076, %add3A_1069 : vector<128x1024xi32>
    %add3A_1078 = arith.addi %add3A_1069, %xor3A_1077 : vector<128x1024xi32>
    %shift_left3A_1079 = arith.constant 16 : i32
    %shift_left3A_1080 = vector.broadcast %shift_left3A_1079 : i32 to vector<128x1024xi32>
    %shift_left3A_1081 = arith.shli %xor3A_1077, %shift_left3A_1080 : vector<128x1024xi32>
    %shift_right_logical3A_1082 = arith.constant 16 : i32
    %shift_right_logical3A_1083 = vector.broadcast %shift_right_logical3A_1082 : i32 to vector<128x1024xi32>
    %shift_right_logical3A_1084 = arith.shrui %xor3A_1077, %shift_right_logical3A_1083 : vector<128x1024xi32>
    %or3A_1085 = arith.ori %shift_left3A_1081, %shift_right_logical3A_1084 : vector<128x1024xi32>
    %xor3A_1086 = arith.xori %or3A_1085, %add3A_1078 : vector<128x1024xi32>
    %add3A_1087 = arith.addi %add3A_1078, %xor3A_1086 : vector<128x1024xi32>
    %shift_left3A_1088 = arith.constant 24 : i32
    %shift_left3A_1089 = vector.broadcast %shift_left3A_1088 : i32 to vector<128x1024xi32>
    %shift_left3A_1090 = arith.shli %xor3A_1086, %shift_left3A_1089 : vector<128x1024xi32>
    %shift_right_logical3A_1091 = arith.constant 8 : i32
    %shift_right_logical3A_1092 = vector.broadcast %shift_right_logical3A_1091 : i32 to vector<128x1024xi32>
    %shift_right_logical3A_1093 = arith.shrui %xor3A_1086, %shift_right_logical3A_1092 : vector<128x1024xi32>
    %or3A_1094 = arith.ori %shift_left3A_1090, %shift_right_logical3A_1093 : vector<128x1024xi32>
    %xor3A_1095 = arith.xori %or3A_1094, %add3A_1087 : vector<128x1024xi32>
    %add3A_1096 = arith.constant 1 : i32
    %add3A_1097 = vector.broadcast %add3A_1096 : i32 to vector<128x1024xi32>
    %add3A_1098 = arith.addi %add3A_1087, %add3A_1097 : vector<128x1024xi32>
    %add3A_1099 = arith.constant 466688987 : i32
    %add3A_1100 = vector.broadcast %add3A_1099 : i32 to vector<128x1024xi32>
    %add3A_1101 = arith.addi %xor3A_1095, %add3A_1100 : vector<128x1024xi32>
    %add3A_1102 = arith.constant 4 : i32
    %add3A_1103 = vector.broadcast %add3A_1102 : i32 to vector<128x1024xi32>
    %add3A_1104 = arith.addi %add3A_1101, %add3A_1103 : vector<128x1024xi32>
    %add3A_1105 = arith.addi %add3A_1098, %add3A_1104 : vector<128x1024xi32>
    %shift_left3A_1106 = arith.constant 13 : i32
    %shift_left3A_1107 = vector.broadcast %shift_left3A_1106 : i32 to vector<128x1024xi32>
    %shift_left3A_1108 = arith.shli %add3A_1104, %shift_left3A_1107 : vector<128x1024xi32>
    %shift_right_logical3A_1109 = arith.constant 19 : i32
    %shift_right_logical3A_1110 = vector.broadcast %shift_right_logical3A_1109 : i32 to vector<128x1024xi32>
    %shift_right_logical3A_1111 = arith.shrui %add3A_1104, %shift_right_logical3A_1110 : vector<128x1024xi32>
    %or3A_1112 = arith.ori %shift_left3A_1108, %shift_right_logical3A_1111 : vector<128x1024xi32>
    %xor3A_1113 = arith.xori %or3A_1112, %add3A_1105 : vector<128x1024xi32>
    %add3A_1114 = arith.addi %add3A_1105, %xor3A_1113 : vector<128x1024xi32>
    %shift_left3A_1115 = arith.constant 15 : i32
    %shift_left3A_1116 = vector.broadcast %shift_left3A_1115 : i32 to vector<128x1024xi32>
    %shift_left3A_1117 = arith.shli %xor3A_1113, %shift_left3A_1116 : vector<128x1024xi32>
    %shift_right_logical3A_1118 = arith.constant 17 : i32
    %shift_right_logical3A_1119 = vector.broadcast %shift_right_logical3A_1118 : i32 to vector<128x1024xi32>
    %shift_right_logical3A_1120 = arith.shrui %xor3A_1113, %shift_right_logical3A_1119 : vector<128x1024xi32>
    %or3A_1121 = arith.ori %shift_left3A_1117, %shift_right_logical3A_1120 : vector<128x1024xi32>
    %xor3A_1122 = arith.xori %or3A_1121, %add3A_1114 : vector<128x1024xi32>
    %add3A_1123 = arith.addi %add3A_1114, %xor3A_1122 : vector<128x1024xi32>
    %shift_left3A_1124 = arith.constant 26 : i32
    %shift_left3A_1125 = vector.broadcast %shift_left3A_1124 : i32 to vector<128x1024xi32>
    %shift_left3A_1126 = arith.shli %xor3A_1122, %shift_left3A_1125 : vector<128x1024xi32>
    %shift_right_logical3A_1127 = arith.constant 6 : i32
    %shift_right_logical3A_1128 = vector.broadcast %shift_right_logical3A_1127 : i32 to vector<128x1024xi32>
    %shift_right_logical3A_1129 = arith.shrui %xor3A_1122, %shift_right_logical3A_1128 : vector<128x1024xi32>
    %or3A_1130 = arith.ori %shift_left3A_1126, %shift_right_logical3A_1129 : vector<128x1024xi32>
    %xor3A_1131 = arith.xori %or3A_1130, %add3A_1123 : vector<128x1024xi32>
    %add3A_1132 = arith.addi %add3A_1123, %xor3A_1131 : vector<128x1024xi32>
    %shift_left3A_1133 = arith.constant 6 : i32
    %shift_left3A_1134 = vector.broadcast %shift_left3A_1133 : i32 to vector<128x1024xi32>
    %shift_left3A_1135 = arith.shli %xor3A_1131, %shift_left3A_1134 : vector<128x1024xi32>
    %shift_right_logical3A_1136 = arith.constant 26 : i32
    %shift_right_logical3A_1137 = vector.broadcast %shift_right_logical3A_1136 : i32 to vector<128x1024xi32>
    %shift_right_logical3A_1138 = arith.shrui %xor3A_1131, %shift_right_logical3A_1137 : vector<128x1024xi32>
    %or3A_1139 = arith.ori %shift_left3A_1135, %shift_right_logical3A_1138 : vector<128x1024xi32>
    %xor3A_1140 = arith.xori %or3A_1139, %add3A_1132 : vector<128x1024xi32>
    %add3A_1141 = arith.constant 466688987 : i32
    %add3A_1142 = vector.broadcast %add3A_1141 : i32 to vector<128x1024xi32>
    %add3A_1143 = arith.addi %add3A_1132, %add3A_1142 : vector<128x1024xi32>
    %add3A_1144 = arith.constant 0 : i32
    %add3A_1145 = vector.broadcast %add3A_1144 : i32 to vector<128x1024xi32>
    %add3A_1146 = arith.addi %xor3A_1140, %add3A_1145 : vector<128x1024xi32>
    %add3A_1147 = arith.constant 5 : i32
    %add3A_1148 = vector.broadcast %add3A_1147 : i32 to vector<128x1024xi32>
    %add3A_1149 = arith.addi %add3A_1146, %add3A_1148 : vector<128x1024xi32>
    %xor3A_1150 = arith.xori %add3A_1143, %add3A_1149 : vector<128x1024xi32>
    %shift_right_logical3A_1151 = arith.constant 9 : i32
    %shift_right_logical3A_1152 = vector.broadcast %shift_right_logical3A_1151 : i32 to vector<128x1024xi32>
    %shift_right_logical3A_1153 = arith.shrui %xor3A_1150, %shift_right_logical3A_1152 : vector<128x1024xi32>
    %or3A_1154 = arith.constant 1065353216 : i32
    %or3A_1155 = vector.broadcast %or3A_1154 : i32 to vector<128x1024xi32>
    %or3A_1156 = arith.ori %shift_right_logical3A_1153, %or3A_1155 : vector<128x1024xi32>
    %bitcast_convert_type3A_1157 = tpu.bitcast %or3A_1156 : vector<128x1024xi32> -> vector<128x1024xf32>
    %sub3A_1158 = arith.constant 1.000000e+00 : f32
    %sub3A_1159 = vector.broadcast %sub3A_1158 : f32 to vector<128x1024xf32>
    %sub3A_1160 = arith.subf %bitcast_convert_type3A_1157, %sub3A_1159 : vector<128x1024xf32>
    %mul3A_1161 = arith.constant 2.000000e+00 : f32
    %mul3A_1162 = vector.broadcast %mul3A_1161 : f32 to vector<128x1024xf32>
    %mul3A_1163 = arith.mulf %sub3A_1160, %mul3A_1162 : vector<128x1024xf32>
    %add3A_1164 = arith.constant -0.99999994 : f32
    %add3A_1165 = vector.broadcast %add3A_1164 : f32 to vector<128x1024xf32>
    %add3A_1166 = arith.addf %mul3A_1163, %add3A_1165 : vector<128x1024xf32>
    %max3A_1167 = arith.constant -0.99999994 : f32
    %max3A_1168 = vector.broadcast %max3A_1167 : f32 to vector<128x1024xf32>
    %max3A_1169 = arith.maximumf %max3A_1168, %add3A_1166 : vector<128x1024xf32>
    %mul3A_1170 = arith.constant 1.41421354 : f32
    %mul3A_1171 = vector.broadcast %mul3A_1170 : f32 to vector<128x1024xf32>
    %mul3A_1172 = arith.mulf %mul3A_1171, %max3A_1169 : vector<128x1024xf32>
    %get3A_1173 = arith.constant 3 : index
    %get3A_1174 = arith.constant 0 : index
    %get3A_1175 = arith.constant 0 : index
    %get3A_1176 = vector.load %arg2[%get3A_1173, %get3A_1174, %get3A_1175] : memref<8x128x1024xf32, #tpu.memory_space<vmem>>, vector<1x128x1024xf32>
    %get3A_1177 = vector.shape_cast %get3A_1176 : vector<1x128x1024xf32> to vector<128x1024xf32>
    %mul3A_1178 = arith.mulf %dot_general3A_900, %get3A_1177 : vector<128x1024xf32>
    %mul3A_1179 = arith.mulf %dot_general3A_907, %mul3A_1172 : vector<128x1024xf32>
    %add3A_1180 = arith.addf %mul3A_1178, %mul3A_1179 : vector<128x1024xf32>
    %add3A_1181 = vector.broadcast %get3A_3 : f32 to vector<128x1024xf32>
    %add3A_1182 = arith.addf %add3A_1180, %add3A_1181 : vector<128x1024xf32>
    %swap3A_1183 = arith.constant 3 : index
    %swap3A_1184 = arith.constant 0 : index
    %swap3A_1185 = arith.constant 0 : index
    %swap3A_1186 = vector.load %arg7[%swap3A_1183, %swap3A_1184, %swap3A_1185] : memref<8x128x1024xf32, #tpu.memory_space<vmem>>, vector<1x128x1024xf32>
    %swap3A_1187 = vector.shape_cast %swap3A_1186 : vector<1x128x1024xf32> to vector<128x1024xf32>
    %swap3A_1188 = vector.shape_cast %add3A_1182 : vector<128x1024xf32> to vector<1x128x1024xf32>
    tpu.vector_store %arg7[%swap3A_1183, %swap3A_1184, %swap3A_1185], %swap3A_1188 {strides = array<i32>} : memref<8x128x1024xf32, #tpu.memory_space<vmem>>, vector<1x128x1024xf32>,
    %add3A_1189 = arith.constant 4 : i32
    %add3A_1190 = arith.addi %mul3A_4, %add3A_1189 : i32
    %get3A_1191 = arith.index_cast %add3A_1190 : i32 to index
    %get3A_1192 = memref.load %arg1[%get3A_1191] : memref<128xi32, #tpu.memory_space<smem>>
    %get3A_1193 = arith.index_cast %get3A_1192 : i32 to index
    %get3A_1194 = arith.constant 0 : index
    %get3A_1195 = arith.constant 0 : index
    %get3A_1196 = vector.load %arg3[%get3A_1193, %get3A_1194, %get3A_1195] : memref<40x128x32xf32, #tpu.memory_space<vmem>>, vector<1x128x32xf32>
    %get3A_1197 = vector.shape_cast %get3A_1196 : vector<1x128x32xf32> to vector<128x32xf32>
    %dot_general3A_1198 = arith.constant dense<0.000000e+00> : vector<128x1024xf32>
    %dot_general3A_1199 = tpu.matmul %get3A_1197, %get3A_1, %dot_general3A_1198 {dimension_numbers = #tpu.dot_dimension_numbers<[1], [0], [0], [1], [0, 0, 1, 1], [], []>, transpose_lhs_hint = false} : vector<128x32xf32>, vector<32x1024xf32>, vector<128x1024xf32> -> vector<128x1024xf32>
    %get3A_1200 = arith.index_cast %get3A_1192 : i32 to index
    %get3A_1201 = arith.constant 0 : index
    %get3A_1202 = arith.constant 0 : index
    %get3A_1203 = vector.load %arg4[%get3A_1200, %get3A_1201, %get3A_1202] : memref<40x128x32xf32, #tpu.memory_space<vmem>>, vector<1x128x32xf32>
    %get3A_1204 = vector.shape_cast %get3A_1203 : vector<1x128x32xf32> to vector<128x32xf32>
    %dot_general3A_1205 = arith.constant dense<0.000000e+00> : vector<128x1024xf32>
    %dot_general3A_1206 = tpu.matmul %get3A_1204, %get3A_1, %dot_general3A_1205 {dimension_numbers = #tpu.dot_dimension_numbers<[1], [0], [0], [1], [0, 0, 1, 1], [], []>, transpose_lhs_hint = false} : vector<128x32xf32>, vector<32x1024xf32>, vector<128x1024xf32> -> vector<128x1024xf32>
    %add3A_1207 = arith.constant 4 : i32
    %add3A_1208 = arith.addi %mul3A_4, %add3A_1207 : i32
    %mul3A_1209 = arith.constant 131072 : i32
    %mul3A_1210 = arith.muli %add3A_1208, %mul3A_1209 : i32
    %iota3A_1211 = tpu.iota {dimensions = array<i32: 0>} : vector<128x1024xi32>
    %iota3A_1212 = tpu.iota {dimensions = array<i32: 1>} : vector<128x1024xi32>
    %mul3A_1213 = arith.constant 1024 : i32
    %mul3A_1214 = vector.broadcast %mul3A_1213 : i32 to vector<128x1024xi32>
    %mul3A_1215 = arith.muli %iota3A_1211, %mul3A_1214 : vector<128x1024xi32>
    %add3A_1216 = vector.broadcast %mul3A_1210 : i32 to vector<128x1024xi32>
    %add3A_1217 = arith.addi %add3A_1216, %mul3A_1215 : vector<128x1024xi32>
    %add3A_1218 = arith.addi %add3A_1217, %iota3A_1212 : vector<128x1024xi32>
    %broadcast_in_dim3A_1219 = arith.constant 0 : i32
    %broadcast_in_dim3A_1220 = vector.broadcast %broadcast_in_dim3A_1219 : i32 to vector<128x1024xi32>
    %add3A_1221 = arith.constant 1 : i32
    %add3A_1222 = vector.broadcast %add3A_1221 : i32 to vector<128x1024xi32>
    %add3A_1223 = arith.addi %add3A_1218, %add3A_1222 : vector<128x1024xi32>
    %add3A_1224 = arith.addi %broadcast_in_dim3A_1220, %add3A_1223 : vector<128x1024xi32>
    %shift_left3A_1225 = arith.constant 13 : i32
    %shift_left3A_1226 = vector.broadcast %shift_left3A_1225 : i32 to vector<128x1024xi32>
    %shift_left3A_1227 = arith.shli %add3A_1223, %shift_left3A_1226 : vector<128x1024xi32>
    %shift_right_logical3A_1228 = arith.constant 19 : i32
    %shift_right_logical3A_1229 = vector.broadcast %shift_right_logical3A_1228 : i32 to vector<128x1024xi32>
    %shift_right_logical3A_1230 = arith.shrui %add3A_1223, %shift_right_logical3A_1229 : vector<128x1024xi32>
    %or3A_1231 = arith.ori %shift_left3A_1227, %shift_right_logical3A_1230 : vector<128x1024xi32>
    %xor3A_1232 = arith.xori %or3A_1231, %add3A_1224 : vector<128x1024xi32>
    %add3A_1233 = arith.addi %add3A_1224, %xor3A_1232 : vector<128x1024xi32>
    %shift_left3A_1234 = arith.constant 15 : i32
    %shift_left3A_1235 = vector.broadcast %shift_left3A_1234 : i32 to vector<128x1024xi32>
    %shift_left3A_1236 = arith.shli %xor3A_1232, %shift_left3A_1235 : vector<128x1024xi32>
    %shift_right_logical3A_1237 = arith.constant 17 : i32
    %shift_right_logical3A_1238 = vector.broadcast %shift_right_logical3A_1237 : i32 to vector<128x1024xi32>
    %shift_right_logical3A_1239 = arith.shrui %xor3A_1232, %shift_right_logical3A_1238 : vector<128x1024xi32>
    %or3A_1240 = arith.ori %shift_left3A_1236, %shift_right_logical3A_1239 : vector<128x1024xi32>
    %xor3A_1241 = arith.xori %or3A_1240, %add3A_1233 : vector<128x1024xi32>
    %add3A_1242 = arith.addi %add3A_1233, %xor3A_1241 : vector<128x1024xi32>
    %shift_left3A_1243 = arith.constant 26 : i32
    %shift_left3A_1244 = vector.broadcast %shift_left3A_1243 : i32 to vector<128x1024xi32>
    %shift_left3A_1245 = arith.shli %xor3A_1241, %shift_left3A_1244 : vector<128x1024xi32>
    %shift_right_logical3A_1246 = arith.constant 6 : i32
    %shift_right_logical3A_1247 = vector.broadcast %shift_right_logical3A_1246 : i32 to vector<128x1024xi32>
    %shift_right_logical3A_1248 = arith.shrui %xor3A_1241, %shift_right_logical3A_1247 : vector<128x1024xi32>
    %or3A_1249 = arith.ori %shift_left3A_1245, %shift_right_logical3A_1248 : vector<128x1024xi32>
    %xor3A_1250 = arith.xori %or3A_1249, %add3A_1242 : vector<128x1024xi32>
    %add3A_1251 = arith.addi %add3A_1242, %xor3A_1250 : vector<128x1024xi32>
    %shift_left3A_1252 = arith.constant 6 : i32
    %shift_left3A_1253 = vector.broadcast %shift_left3A_1252 : i32 to vector<128x1024xi32>
    %shift_left3A_1254 = arith.shli %xor3A_1250, %shift_left3A_1253 : vector<128x1024xi32>
    %shift_right_logical3A_1255 = arith.constant 26 : i32
    %shift_right_logical3A_1256 = vector.broadcast %shift_right_logical3A_1255 : i32 to vector<128x1024xi32>
    %shift_right_logical3A_1257 = arith.shrui %xor3A_1250, %shift_right_logical3A_1256 : vector<128x1024xi32>
    %or3A_1258 = arith.ori %shift_left3A_1254, %shift_right_logical3A_1257 : vector<128x1024xi32>
    %xor3A_1259 = arith.xori %or3A_1258, %add3A_1251 : vector<128x1024xi32>
    %add3A_1260 = arith.constant 1 : i32
    %add3A_1261 = vector.broadcast %add3A_1260 : i32 to vector<128x1024xi32>
    %add3A_1262 = arith.addi %add3A_1251, %add3A_1261 : vector<128x1024xi32>
    %add3A_1263 = arith.constant 466688987 : i32
    %add3A_1264 = vector.broadcast %add3A_1263 : i32 to vector<128x1024xi32>
    %add3A_1265 = arith.addi %xor3A_1259, %add3A_1264 : vector<128x1024xi32>
    %add3A_1266 = arith.constant 1 : i32
    %add3A_1267 = vector.broadcast %add3A_1266 : i32 to vector<128x1024xi32>
    %add3A_1268 = arith.addi %add3A_1265, %add3A_1267 : vector<128x1024xi32>
    %add3A_1269 = arith.addi %add3A_1262, %add3A_1268 : vector<128x1024xi32>
    %shift_left3A_1270 = arith.constant 17 : i32
    %shift_left3A_1271 = vector.broadcast %shift_left3A_1270 : i32 to vector<128x1024xi32>
    %shift_left3A_1272 = arith.shli %add3A_1268, %shift_left3A_1271 : vector<128x1024xi32>
    %shift_right_logical3A_1273 = arith.constant 15 : i32
    %shift_right_logical3A_1274 = vector.broadcast %shift_right_logical3A_1273 : i32 to vector<128x1024xi32>
    %shift_right_logical3A_1275 = arith.shrui %add3A_1268, %shift_right_logical3A_1274 : vector<128x1024xi32>
    %or3A_1276 = arith.ori %shift_left3A_1272, %shift_right_logical3A_1275 : vector<128x1024xi32>
    %xor3A_1277 = arith.xori %or3A_1276, %add3A_1269 : vector<128x1024xi32>
    %add3A_1278 = arith.addi %add3A_1269, %xor3A_1277 : vector<128x1024xi32>
    %shift_left3A_1279 = arith.constant 29 : i32
    %shift_left3A_1280 = vector.broadcast %shift_left3A_1279 : i32 to vector<128x1024xi32>
    %shift_left3A_1281 = arith.shli %xor3A_1277, %shift_left3A_1280 : vector<128x1024xi32>
    %shift_right_logical3A_1282 = arith.constant 3 : i32
    %shift_right_logical3A_1283 = vector.broadcast %shift_right_logical3A_1282 : i32 to vector<128x1024xi32>
    %shift_right_logical3A_1284 = arith.shrui %xor3A_1277, %shift_right_logical3A_1283 : vector<128x1024xi32>
    %or3A_1285 = arith.ori %shift_left3A_1281, %shift_right_logical3A_1284 : vector<128x1024xi32>
    %xor3A_1286 = arith.xori %or3A_1285, %add3A_1278 : vector<128x1024xi32>
    %add3A_1287 = arith.addi %add3A_1278, %xor3A_1286 : vector<128x1024xi32>
    %shift_left3A_1288 = arith.constant 16 : i32
    %shift_left3A_1289 = vector.broadcast %shift_left3A_1288 : i32 to vector<128x1024xi32>
    %shift_left3A_1290 = arith.shli %xor3A_1286, %shift_left3A_1289 : vector<128x1024xi32>
    %shift_right_logical3A_1291 = arith.constant 16 : i32
    %shift_right_logical3A_1292 = vector.broadcast %shift_right_logical3A_1291 : i32 to vector<128x1024xi32>
    %shift_right_logical3A_1293 = arith.shrui %xor3A_1286, %shift_right_logical3A_1292 : vector<128x1024xi32>
    %or3A_1294 = arith.ori %shift_left3A_1290, %shift_right_logical3A_1293 : vector<128x1024xi32>
    %xor3A_1295 = arith.xori %or3A_1294, %add3A_1287 : vector<128x1024xi32>
    %add3A_1296 = arith.addi %add3A_1287, %xor3A_1295 : vector<128x1024xi32>
    %shift_left3A_1297 = arith.constant 24 : i32
    %shift_left3A_1298 = vector.broadcast %shift_left3A_1297 : i32 to vector<128x1024xi32>
    %shift_left3A_1299 = arith.shli %xor3A_1295, %shift_left3A_1298 : vector<128x1024xi32>
    %shift_right_logical3A_1300 = arith.constant 8 : i32
    %shift_right_logical3A_1301 = vector.broadcast %shift_right_logical3A_1300 : i32 to vector<128x1024xi32>
    %shift_right_logical3A_1302 = arith.shrui %xor3A_1295, %shift_right_logical3A_1301 : vector<128x1024xi32>
    %or3A_1303 = arith.ori %shift_left3A_1299, %shift_right_logical3A_1302 : vector<128x1024xi32>
    %xor3A_1304 = arith.xori %or3A_1303, %add3A_1296 : vector<128x1024xi32>
    %add3A_1305 = arith.constant 466688987 : i32
    %add3A_1306 = vector.broadcast %add3A_1305 : i32 to vector<128x1024xi32>
    %add3A_1307 = arith.addi %add3A_1296, %add3A_1306 : vector<128x1024xi32>
    %add3A_1308 = arith.constant 0 : i32
    %add3A_1309 = vector.broadcast %add3A_1308 : i32 to vector<128x1024xi32>
    %add3A_1310 = arith.addi %xor3A_1304, %add3A_1309 : vector<128x1024xi32>
    %add3A_1311 = arith.constant 2 : i32
    %add3A_1312 = vector.broadcast %add3A_1311 : i32 to vector<128x1024xi32>
    %add3A_1313 = arith.addi %add3A_1310, %add3A_1312 : vector<128x1024xi32>
    %add3A_1314 = arith.addi %add3A_1307, %add3A_1313 : vector<128x1024xi32>
    %shift_left3A_1315 = arith.constant 13 : i32
    %shift_left3A_1316 = vector.broadcast %shift_left3A_1315 : i32 to vector<128x1024xi32>
    %shift_left3A_1317 = arith.shli %add3A_1313, %shift_left3A_1316 : vector<128x1024xi32>
    %shift_right_logical3A_1318 = arith.constant 19 : i32
    %shift_right_logical3A_1319 = vector.broadcast %shift_right_logical3A_1318 : i32 to vector<128x1024xi32>
    %shift_right_logical3A_1320 = arith.shrui %add3A_1313, %shift_right_logical3A_1319 : vector<128x1024xi32>
    %or3A_1321 = arith.ori %shift_left3A_1317, %shift_right_logical3A_1320 : vector<128x1024xi32>
    %xor3A_1322 = arith.xori %or3A_1321, %add3A_1314 : vector<128x1024xi32>
    %add3A_1323 = arith.addi %add3A_1314, %xor3A_1322 : vector<128x1024xi32>
    %shift_left3A_1324 = arith.constant 15 : i32
    %shift_left3A_1325 = vector.broadcast %shift_left3A_1324 : i32 to vector<128x1024xi32>
    %shift_left3A_1326 = arith.shli %xor3A_1322, %shift_left3A_1325 : vector<128x1024xi32>
    %shift_right_logical3A_1327 = arith.constant 17 : i32
    %shift_right_logical3A_1328 = vector.broadcast %shift_right_logical3A_1327 : i32 to vector<128x1024xi32>
    %shift_right_logical3A_1329 = arith.shrui %xor3A_1322, %shift_right_logical3A_1328 : vector<128x1024xi32>
    %or3A_1330 = arith.ori %shift_left3A_1326, %shift_right_logical3A_1329 : vector<128x1024xi32>
    %xor3A_1331 = arith.xori %or3A_1330, %add3A_1323 : vector<128x1024xi32>
    %add3A_1332 = arith.addi %add3A_1323, %xor3A_1331 : vector<128x1024xi32>
    %shift_left3A_1333 = arith.constant 26 : i32
    %shift_left3A_1334 = vector.broadcast %shift_left3A_1333 : i32 to vector<128x1024xi32>
    %shift_left3A_1335 = arith.shli %xor3A_1331, %shift_left3A_1334 : vector<128x1024xi32>
    %shift_right_logical3A_1336 = arith.constant 6 : i32
    %shift_right_logical3A_1337 = vector.broadcast %shift_right_logical3A_1336 : i32 to vector<128x1024xi32>
    %shift_right_logical3A_1338 = arith.shrui %xor3A_1331, %shift_right_logical3A_1337 : vector<128x1024xi32>
    %or3A_1339 = arith.ori %shift_left3A_1335, %shift_right_logical3A_1338 : vector<128x1024xi32>
    %xor3A_1340 = arith.xori %or3A_1339, %add3A_1332 : vector<128x1024xi32>
    %add3A_1341 = arith.addi %add3A_1332, %xor3A_1340 : vector<128x1024xi32>
    %shift_left3A_1342 = arith.constant 6 : i32
    %shift_left3A_1343 = vector.broadcast %shift_left3A_1342 : i32 to vector<128x1024xi32>
    %shift_left3A_1344 = arith.shli %xor3A_1340, %shift_left3A_1343 : vector<128x1024xi32>
    %shift_right_logical3A_1345 = arith.constant 26 : i32
    %shift_right_logical3A_1346 = vector.broadcast %shift_right_logical3A_1345 : i32 to vector<128x1024xi32>
    %shift_right_logical3A_1347 = arith.shrui %xor3A_1340, %shift_right_logical3A_1346 : vector<128x1024xi32>
    %or3A_1348 = arith.ori %shift_left3A_1344, %shift_right_logical3A_1347 : vector<128x1024xi32>
    %xor3A_1349 = arith.xori %or3A_1348, %add3A_1341 : vector<128x1024xi32>
    %add3A_1350 = arith.constant 0 : i32
    %add3A_1351 = vector.broadcast %add3A_1350 : i32 to vector<128x1024xi32>
    %add3A_1352 = arith.addi %add3A_1341, %add3A_1351 : vector<128x1024xi32>
    %add3A_1353 = arith.constant 1 : i32
    %add3A_1354 = vector.broadcast %add3A_1353 : i32 to vector<128x1024xi32>
    %add3A_1355 = arith.addi %xor3A_1349, %add3A_1354 : vector<128x1024xi32>
    %add3A_1356 = arith.constant 3 : i32
    %add3A_1357 = vector.broadcast %add3A_1356 : i32 to vector<128x1024xi32>
    %add3A_1358 = arith.addi %add3A_1355, %add3A_1357 : vector<128x1024xi32>
    %add3A_1359 = arith.addi %add3A_1352, %add3A_1358 : vector<128x1024xi32>
    %shift_left3A_1360 = arith.constant 17 : i32
    %shift_left3A_1361 = vector.broadcast %shift_left3A_1360 : i32 to vector<128x1024xi32>
    %shift_left3A_1362 = arith.shli %add3A_1358, %shift_left3A_1361 : vector<128x1024xi32>
    %shift_right_logical3A_1363 = arith.constant 15 : i32
    %shift_right_logical3A_1364 = vector.broadcast %shift_right_logical3A_1363 : i32 to vector<128x1024xi32>
    %shift_right_logical3A_1365 = arith.shrui %add3A_1358, %shift_right_logical3A_1364 : vector<128x1024xi32>
    %or3A_1366 = arith.ori %shift_left3A_1362, %shift_right_logical3A_1365 : vector<128x1024xi32>
    %xor3A_1367 = arith.xori %or3A_1366, %add3A_1359 : vector<128x1024xi32>
    %add3A_1368 = arith.addi %add3A_1359, %xor3A_1367 : vector<128x1024xi32>
    %shift_left3A_1369 = arith.constant 29 : i32
    %shift_left3A_1370 = vector.broadcast %shift_left3A_1369 : i32 to vector<128x1024xi32>
    %shift_left3A_1371 = arith.shli %xor3A_1367, %shift_left3A_1370 : vector<128x1024xi32>
    %shift_right_logical3A_1372 = arith.constant 3 : i32
    %shift_right_logical3A_1373 = vector.broadcast %shift_right_logical3A_1372 : i32 to vector<128x1024xi32>
    %shift_right_logical3A_1374 = arith.shrui %xor3A_1367, %shift_right_logical3A_1373 : vector<128x1024xi32>
    %or3A_1375 = arith.ori %shift_left3A_1371, %shift_right_logical3A_1374 : vector<128x1024xi32>
    %xor3A_1376 = arith.xori %or3A_1375, %add3A_1368 : vector<128x1024xi32>
    %add3A_1377 = arith.addi %add3A_1368, %xor3A_1376 : vector<128x1024xi32>
    %shift_left3A_1378 = arith.constant 16 : i32
    %shift_left3A_1379 = vector.broadcast %shift_left3A_1378 : i32 to vector<128x1024xi32>
    %shift_left3A_1380 = arith.shli %xor3A_1376, %shift_left3A_1379 : vector<128x1024xi32>
    %shift_right_logical3A_1381 = arith.constant 16 : i32
    %shift_right_logical3A_1382 = vector.broadcast %shift_right_logical3A_1381 : i32 to vector<128x1024xi32>
    %shift_right_logical3A_1383 = arith.shrui %xor3A_1376, %shift_right_logical3A_1382 : vector<128x1024xi32>
    %or3A_1384 = arith.ori %shift_left3A_1380, %shift_right_logical3A_1383 : vector<128x1024xi32>
    %xor3A_1385 = arith.xori %or3A_1384, %add3A_1377 : vector<128x1024xi32>
    %add3A_1386 = arith.addi %add3A_1377, %xor3A_1385 : vector<128x1024xi32>
    %shift_left3A_1387 = arith.constant 24 : i32
    %shift_left3A_1388 = vector.broadcast %shift_left3A_1387 : i32 to vector<128x1024xi32>
    %shift_left3A_1389 = arith.shli %xor3A_1385, %shift_left3A_1388 : vector<128x1024xi32>
    %shift_right_logical3A_1390 = arith.constant 8 : i32
    %shift_right_logical3A_1391 = vector.broadcast %shift_right_logical3A_1390 : i32 to vector<128x1024xi32>
    %shift_right_logical3A_1392 = arith.shrui %xor3A_1385, %shift_right_logical3A_1391 : vector<128x1024xi32>
    %or3A_1393 = arith.ori %shift_left3A_1389, %shift_right_logical3A_1392 : vector<128x1024xi32>
    %xor3A_1394 = arith.xori %or3A_1393, %add3A_1386 : vector<128x1024xi32>
    %add3A_1395 = arith.constant 1 : i32
    %add3A_1396 = vector.broadcast %add3A_1395 : i32 to vector<128x1024xi32>
    %add3A_1397 = arith.addi %add3A_1386, %add3A_1396 : vector<128x1024xi32>
    %add3A_1398 = arith.constant 466688987 : i32
    %add3A_1399 = vector.broadcast %add3A_1398 : i32 to vector<128x1024xi32>
    %add3A_1400 = arith.addi %xor3A_1394, %add3A_1399 : vector<128x1024xi32>
    %add3A_1401 = arith.constant 4 : i32
    %add3A_1402 = vector.broadcast %add3A_1401 : i32 to vector<128x1024xi32>
    %add3A_1403 = arith.addi %add3A_1400, %add3A_1402 : vector<128x1024xi32>
    %add3A_1404 = arith.addi %add3A_1397, %add3A_1403 : vector<128x1024xi32>
    %shift_left3A_1405 = arith.constant 13 : i32
    %shift_left3A_1406 = vector.broadcast %shift_left3A_1405 : i32 to vector<128x1024xi32>
    %shift_left3A_1407 = arith.shli %add3A_1403, %shift_left3A_1406 : vector<128x1024xi32>
    %shift_right_logical3A_1408 = arith.constant 19 : i32
    %shift_right_logical3A_1409 = vector.broadcast %shift_right_logical3A_1408 : i32 to vector<128x1024xi32>
    %shift_right_logical3A_1410 = arith.shrui %add3A_1403, %shift_right_logical3A_1409 : vector<128x1024xi32>
    %or3A_1411 = arith.ori %shift_left3A_1407, %shift_right_logical3A_1410 : vector<128x1024xi32>
    %xor3A_1412 = arith.xori %or3A_1411, %add3A_1404 : vector<128x1024xi32>
    %add3A_1413 = arith.addi %add3A_1404, %xor3A_1412 : vector<128x1024xi32>
    %shift_left3A_1414 = arith.constant 15 : i32
    %shift_left3A_1415 = vector.broadcast %shift_left3A_1414 : i32 to vector<128x1024xi32>
    %shift_left3A_1416 = arith.shli %xor3A_1412, %shift_left3A_1415 : vector<128x1024xi32>
    %shift_right_logical3A_1417 = arith.constant 17 : i32
    %shift_right_logical3A_1418 = vector.broadcast %shift_right_logical3A_1417 : i32 to vector<128x1024xi32>
    %shift_right_logical3A_1419 = arith.shrui %xor3A_1412, %shift_right_logical3A_1418 : vector<128x1024xi32>
    %or3A_1420 = arith.ori %shift_left3A_1416, %shift_right_logical3A_1419 : vector<128x1024xi32>
    %xor3A_1421 = arith.xori %or3A_1420, %add3A_1413 : vector<128x1024xi32>
    %add3A_1422 = arith.addi %add3A_1413, %xor3A_1421 : vector<128x1024xi32>
    %shift_left3A_1423 = arith.constant 26 : i32
    %shift_left3A_1424 = vector.broadcast %shift_left3A_1423 : i32 to vector<128x1024xi32>
    %shift_left3A_1425 = arith.shli %xor3A_1421, %shift_left3A_1424 : vector<128x1024xi32>
    %shift_right_logical3A_1426 = arith.constant 6 : i32
    %shift_right_logical3A_1427 = vector.broadcast %shift_right_logical3A_1426 : i32 to vector<128x1024xi32>
    %shift_right_logical3A_1428 = arith.shrui %xor3A_1421, %shift_right_logical3A_1427 : vector<128x1024xi32>
    %or3A_1429 = arith.ori %shift_left3A_1425, %shift_right_logical3A_1428 : vector<128x1024xi32>
    %xor3A_1430 = arith.xori %or3A_1429, %add3A_1422 : vector<128x1024xi32>
    %add3A_1431 = arith.addi %add3A_1422, %xor3A_1430 : vector<128x1024xi32>
    %shift_left3A_1432 = arith.constant 6 : i32
    %shift_left3A_1433 = vector.broadcast %shift_left3A_1432 : i32 to vector<128x1024xi32>
    %shift_left3A_1434 = arith.shli %xor3A_1430, %shift_left3A_1433 : vector<128x1024xi32>
    %shift_right_logical3A_1435 = arith.constant 26 : i32
    %shift_right_logical3A_1436 = vector.broadcast %shift_right_logical3A_1435 : i32 to vector<128x1024xi32>
    %shift_right_logical3A_1437 = arith.shrui %xor3A_1430, %shift_right_logical3A_1436 : vector<128x1024xi32>
    %or3A_1438 = arith.ori %shift_left3A_1434, %shift_right_logical3A_1437 : vector<128x1024xi32>
    %xor3A_1439 = arith.xori %or3A_1438, %add3A_1431 : vector<128x1024xi32>
    %add3A_1440 = arith.constant 466688987 : i32
    %add3A_1441 = vector.broadcast %add3A_1440 : i32 to vector<128x1024xi32>
    %add3A_1442 = arith.addi %add3A_1431, %add3A_1441 : vector<128x1024xi32>
    %add3A_1443 = arith.constant 0 : i32
    %add3A_1444 = vector.broadcast %add3A_1443 : i32 to vector<128x1024xi32>
    %add3A_1445 = arith.addi %xor3A_1439, %add3A_1444 : vector<128x1024xi32>
    %add3A_1446 = arith.constant 5 : i32
    %add3A_1447 = vector.broadcast %add3A_1446 : i32 to vector<128x1024xi32>
    %add3A_1448 = arith.addi %add3A_1445, %add3A_1447 : vector<128x1024xi32>
    %xor3A_1449 = arith.xori %add3A_1442, %add3A_1448 : vector<128x1024xi32>
    %shift_right_logical3A_1450 = arith.constant 9 : i32
    %shift_right_logical3A_1451 = vector.broadcast %shift_right_logical3A_1450 : i32 to vector<128x1024xi32>
    %shift_right_logical3A_1452 = arith.shrui %xor3A_1449, %shift_right_logical3A_1451 : vector<128x1024xi32>
    %or3A_1453 = arith.constant 1065353216 : i32
    %or3A_1454 = vector.broadcast %or3A_1453 : i32 to vector<128x1024xi32>
    %or3A_1455 = arith.ori %shift_right_logical3A_1452, %or3A_1454 : vector<128x1024xi32>
    %bitcast_convert_type3A_1456 = tpu.bitcast %or3A_1455 : vector<128x1024xi32> -> vector<128x1024xf32>
    %sub3A_1457 = arith.constant 1.000000e+00 : f32
    %sub3A_1458 = vector.broadcast %sub3A_1457 : f32 to vector<128x1024xf32>
    %sub3A_1459 = arith.subf %bitcast_convert_type3A_1456, %sub3A_1458 : vector<128x1024xf32>
    %mul3A_1460 = arith.constant 2.000000e+00 : f32
    %mul3A_1461 = vector.broadcast %mul3A_1460 : f32 to vector<128x1024xf32>
    %mul3A_1462 = arith.mulf %sub3A_1459, %mul3A_1461 : vector<128x1024xf32>
    %add3A_1463 = arith.constant -0.99999994 : f32
    %add3A_1464 = vector.broadcast %add3A_1463 : f32 to vector<128x1024xf32>
    %add3A_1465 = arith.addf %mul3A_1462, %add3A_1464 : vector<128x1024xf32>
    %max3A_1466 = arith.constant -0.99999994 : f32
    %max3A_1467 = vector.broadcast %max3A_1466 : f32 to vector<128x1024xf32>
    %max3A_1468 = arith.maximumf %max3A_1467, %add3A_1465 : vector<128x1024xf32>
    %mul3A_1469 = arith.constant 1.41421354 : f32
    %mul3A_1470 = vector.broadcast %mul3A_1469 : f32 to vector<128x1024xf32>
    %mul3A_1471 = arith.mulf %mul3A_1470, %max3A_1468 : vector<128x1024xf32>
    %get3A_1472 = arith.constant 4 : index
    %get3A_1473 = arith.constant 0 : index
    %get3A_1474 = arith.constant 0 : index
    %get3A_1475 = vector.load %arg2[%get3A_1472, %get3A_1473, %get3A_1474] : memref<8x128x1024xf32, #tpu.memory_space<vmem>>, vector<1x128x1024xf32>
    %get3A_1476 = vector.shape_cast %get3A_1475 : vector<1x128x1024xf32> to vector<128x1024xf32>
    %mul3A_1477 = arith.mulf %dot_general3A_1199, %get3A_1476 : vector<128x1024xf32>
    %mul3A_1478 = arith.mulf %dot_general3A_1206, %mul3A_1471 : vector<128x1024xf32>
    %add3A_1479 = arith.addf %mul3A_1477, %mul3A_1478 : vector<128x1024xf32>
    %add3A_1480 = vector.broadcast %get3A_3 : f32 to vector<128x1024xf32>
    %add3A_1481 = arith.addf %add3A_1479, %add3A_1480 : vector<128x1024xf32>
    %swap3A_1482 = arith.constant 4 : index
    %swap3A_1483 = arith.constant 0 : index
    %swap3A_1484 = arith.constant 0 : index
    %swap3A_1485 = vector.load %arg7[%swap3A_1482, %swap3A_1483, %swap3A_1484] : memref<8x128x1024xf32, #tpu.memory_space<vmem>>, vector<1x128x1024xf32>
    %swap3A_1486 = vector.shape_cast %swap3A_1485 : vector<1x128x1024xf32> to vector<128x1024xf32>
    %swap3A_1487 = vector.shape_cast %add3A_1481 : vector<128x1024xf32> to vector<1x128x1024xf32>
    tpu.vector_store %arg7[%swap3A_1482, %swap3A_1483, %swap3A_1484], %swap3A_1487 {strides = array<i32>} : memref<8x128x1024xf32, #tpu.memory_space<vmem>>, vector<1x128x1024xf32>,
    %add3A_1488 = arith.constant 5 : i32
    %add3A_1489 = arith.addi %mul3A_4, %add3A_1488 : i32
    %get3A_1490 = arith.index_cast %add3A_1489 : i32 to index
    %get3A_1491 = memref.load %arg1[%get3A_1490] : memref<128xi32, #tpu.memory_space<smem>>
    %get3A_1492 = arith.index_cast %get3A_1491 : i32 to index
    %get3A_1493 = arith.constant 0 : index
    %get3A_1494 = arith.constant 0 : index
    %get3A_1495 = vector.load %arg3[%get3A_1492, %get3A_1493, %get3A_1494] : memref<40x128x32xf32, #tpu.memory_space<vmem>>, vector<1x128x32xf32>
    %get3A_1496 = vector.shape_cast %get3A_1495 : vector<1x128x32xf32> to vector<128x32xf32>
    %dot_general3A_1497 = arith.constant dense<0.000000e+00> : vector<128x1024xf32>
    %dot_general3A_1498 = tpu.matmul %get3A_1496, %get3A_1, %dot_general3A_1497 {dimension_numbers = #tpu.dot_dimension_numbers<[1], [0], [0], [1], [0, 0, 1, 1], [], []>, transpose_lhs_hint = false} : vector<128x32xf32>, vector<32x1024xf32>, vector<128x1024xf32> -> vector<128x1024xf32>
    %get3A_1499 = arith.index_cast %get3A_1491 : i32 to index
    %get3A_1500 = arith.constant 0 : index
    %get3A_1501 = arith.constant 0 : index
    %get3A_1502 = vector.load %arg4[%get3A_1499, %get3A_1500, %get3A_1501] : memref<40x128x32xf32, #tpu.memory_space<vmem>>, vector<1x128x32xf32>
    %get3A_1503 = vector.shape_cast %get3A_1502 : vector<1x128x32xf32> to vector<128x32xf32>
    %dot_general3A_1504 = arith.constant dense<0.000000e+00> : vector<128x1024xf32>
    %dot_general3A_1505 = tpu.matmul %get3A_1503, %get3A_1, %dot_general3A_1504 {dimension_numbers = #tpu.dot_dimension_numbers<[1], [0], [0], [1], [0, 0, 1, 1], [], []>, transpose_lhs_hint = false} : vector<128x32xf32>, vector<32x1024xf32>, vector<128x1024xf32> -> vector<128x1024xf32>
    %add3A_1506 = arith.constant 5 : i32
    %add3A_1507 = arith.addi %mul3A_4, %add3A_1506 : i32
    %mul3A_1508 = arith.constant 131072 : i32
    %mul3A_1509 = arith.muli %add3A_1507, %mul3A_1508 : i32
    %iota3A_1510 = tpu.iota {dimensions = array<i32: 0>} : vector<128x1024xi32>
    %iota3A_1511 = tpu.iota {dimensions = array<i32: 1>} : vector<128x1024xi32>
    %mul3A_1512 = arith.constant 1024 : i32
    %mul3A_1513 = vector.broadcast %mul3A_1512 : i32 to vector<128x1024xi32>
    %mul3A_1514 = arith.muli %iota3A_1510, %mul3A_1513 : vector<128x1024xi32>
    %add3A_1515 = vector.broadcast %mul3A_1509 : i32 to vector<128x1024xi32>
    %add3A_1516 = arith.addi %add3A_1515, %mul3A_1514 : vector<128x1024xi32>
    %add3A_1517 = arith.addi %add3A_1516, %iota3A_1511 : vector<128x1024xi32>
    %broadcast_in_dim3A_1518 = arith.constant 0 : i32
    %broadcast_in_dim3A_1519 = vector.broadcast %broadcast_in_dim3A_1518 : i32 to vector<128x1024xi32>
    %add3A_1520 = arith.constant 1 : i32
    %add3A_1521 = vector.broadcast %add3A_1520 : i32 to vector<128x1024xi32>
    %add3A_1522 = arith.addi %add3A_1517, %add3A_1521 : vector<128x1024xi32>
    %add3A_1523 = arith.addi %broadcast_in_dim3A_1519, %add3A_1522 : vector<128x1024xi32>
    %shift_left3A_1524 = arith.constant 13 : i32
    %shift_left3A_1525 = vector.broadcast %shift_left3A_1524 : i32 to vector<128x1024xi32>
    %shift_left3A_1526 = arith.shli %add3A_1522, %shift_left3A_1525 : vector<128x1024xi32>
    %shift_right_logical3A_1527 = arith.constant 19 : i32
    %shift_right_logical3A_1528 = vector.broadcast %shift_right_logical3A_1527 : i32 to vector<128x1024xi32>
    %shift_right_logical3A_1529 = arith.shrui %add3A_1522, %shift_right_logical3A_1528 : vector<128x1024xi32>
    %or3A_1530 = arith.ori %shift_left3A_1526, %shift_right_logical3A_1529 : vector<128x1024xi32>
    %xor3A_1531 = arith.xori %or3A_1530, %add3A_1523 : vector<128x1024xi32>
    %add3A_1532 = arith.addi %add3A_1523, %xor3A_1531 : vector<128x1024xi32>
    %shift_left3A_1533 = arith.constant 15 : i32
    %shift_left3A_1534 = vector.broadcast %shift_left3A_1533 : i32 to vector<128x1024xi32>
    %shift_left3A_1535 = arith.shli %xor3A_1531, %shift_left3A_1534 : vector<128x1024xi32>
    %shift_right_logical3A_1536 = arith.constant 17 : i32
    %shift_right_logical3A_1537 = vector.broadcast %shift_right_logical3A_1536 : i32 to vector<128x1024xi32>
    %shift_right_logical3A_1538 = arith.shrui %xor3A_1531, %shift_right_logical3A_1537 : vector<128x1024xi32>
    %or3A_1539 = arith.ori %shift_left3A_1535, %shift_right_logical3A_1538 : vector<128x1024xi32>
    %xor3A_1540 = arith.xori %or3A_1539, %add3A_1532 : vector<128x1024xi32>
    %add3A_1541 = arith.addi %add3A_1532, %xor3A_1540 : vector<128x1024xi32>
    %shift_left3A_1542 = arith.constant 26 : i32
    %shift_left3A_1543 = vector.broadcast %shift_left3A_1542 : i32 to vector<128x1024xi32>
    %shift_left3A_1544 = arith.shli %xor3A_1540, %shift_left3A_1543 : vector<128x1024xi32>
    %shift_right_logical3A_1545 = arith.constant 6 : i32
    %shift_right_logical3A_1546 = vector.broadcast %shift_right_logical3A_1545 : i32 to vector<128x1024xi32>
    %shift_right_logical3A_1547 = arith.shrui %xor3A_1540, %shift_right_logical3A_1546 : vector<128x1024xi32>
    %or3A_1548 = arith.ori %shift_left3A_1544, %shift_right_logical3A_1547 : vector<128x1024xi32>
    %xor3A_1549 = arith.xori %or3A_1548, %add3A_1541 : vector<128x1024xi32>
    %add3A_1550 = arith.addi %add3A_1541, %xor3A_1549 : vector<128x1024xi32>
    %shift_left3A_1551 = arith.constant 6 : i32
    %shift_left3A_1552 = vector.broadcast %shift_left3A_1551 : i32 to vector<128x1024xi32>
    %shift_left3A_1553 = arith.shli %xor3A_1549, %shift_left3A_1552 : vector<128x1024xi32>
    %shift_right_logical3A_1554 = arith.constant 26 : i32
    %shift_right_logical3A_1555 = vector.broadcast %shift_right_logical3A_1554 : i32 to vector<128x1024xi32>
    %shift_right_logical3A_1556 = arith.shrui %xor3A_1549, %shift_right_logical3A_1555 : vector<128x1024xi32>
    %or3A_1557 = arith.ori %shift_left3A_1553, %shift_right_logical3A_1556 : vector<128x1024xi32>
    %xor3A_1558 = arith.xori %or3A_1557, %add3A_1550 : vector<128x1024xi32>
    %add3A_1559 = arith.constant 1 : i32
    %add3A_1560 = vector.broadcast %add3A_1559 : i32 to vector<128x1024xi32>
    %add3A_1561 = arith.addi %add3A_1550, %add3A_1560 : vector<128x1024xi32>
    %add3A_1562 = arith.constant 466688987 : i32
    %add3A_1563 = vector.broadcast %add3A_1562 : i32 to vector<128x1024xi32>
    %add3A_1564 = arith.addi %xor3A_1558, %add3A_1563 : vector<128x1024xi32>
    %add3A_1565 = arith.constant 1 : i32
    %add3A_1566 = vector.broadcast %add3A_1565 : i32 to vector<128x1024xi32>
    %add3A_1567 = arith.addi %add3A_1564, %add3A_1566 : vector<128x1024xi32>
    %add3A_1568 = arith.addi %add3A_1561, %add3A_1567 : vector<128x1024xi32>
    %shift_left3A_1569 = arith.constant 17 : i32
    %shift_left3A_1570 = vector.broadcast %shift_left3A_1569 : i32 to vector<128x1024xi32>
    %shift_left3A_1571 = arith.shli %add3A_1567, %shift_left3A_1570 : vector<128x1024xi32>
    %shift_right_logical3A_1572 = arith.constant 15 : i32
    %shift_right_logical3A_1573 = vector.broadcast %shift_right_logical3A_1572 : i32 to vector<128x1024xi32>
    %shift_right_logical3A_1574 = arith.shrui %add3A_1567, %shift_right_logical3A_1573 : vector<128x1024xi32>
    %or3A_1575 = arith.ori %shift_left3A_1571, %shift_right_logical3A_1574 : vector<128x1024xi32>
    %xor3A_1576 = arith.xori %or3A_1575, %add3A_1568 : vector<128x1024xi32>
    %add3A_1577 = arith.addi %add3A_1568, %xor3A_1576 : vector<128x1024xi32>
    %shift_left3A_1578 = arith.constant 29 : i32
    %shift_left3A_1579 = vector.broadcast %shift_left3A_1578 : i32 to vector<128x1024xi32>
    %shift_left3A_1580 = arith.shli %xor3A_1576, %shift_left3A_1579 : vector<128x1024xi32>
    %shift_right_logical3A_1581 = arith.constant 3 : i32
    %shift_right_logical3A_1582 = vector.broadcast %shift_right_logical3A_1581 : i32 to vector<128x1024xi32>
    %shift_right_logical3A_1583 = arith.shrui %xor3A_1576, %shift_right_logical3A_1582 : vector<128x1024xi32>
    %or3A_1584 = arith.ori %shift_left3A_1580, %shift_right_logical3A_1583 : vector<128x1024xi32>
    %xor3A_1585 = arith.xori %or3A_1584, %add3A_1577 : vector<128x1024xi32>
    %add3A_1586 = arith.addi %add3A_1577, %xor3A_1585 : vector<128x1024xi32>
    %shift_left3A_1587 = arith.constant 16 : i32
    %shift_left3A_1588 = vector.broadcast %shift_left3A_1587 : i32 to vector<128x1024xi32>
    %shift_left3A_1589 = arith.shli %xor3A_1585, %shift_left3A_1588 : vector<128x1024xi32>
    %shift_right_logical3A_1590 = arith.constant 16 : i32
    %shift_right_logical3A_1591 = vector.broadcast %shift_right_logical3A_1590 : i32 to vector<128x1024xi32>
    %shift_right_logical3A_1592 = arith.shrui %xor3A_1585, %shift_right_logical3A_1591 : vector<128x1024xi32>
    %or3A_1593 = arith.ori %shift_left3A_1589, %shift_right_logical3A_1592 : vector<128x1024xi32>
    %xor3A_1594 = arith.xori %or3A_1593, %add3A_1586 : vector<128x1024xi32>
    %add3A_1595 = arith.addi %add3A_1586, %xor3A_1594 : vector<128x1024xi32>
    %shift_left3A_1596 = arith.constant 24 : i32
    %shift_left3A_1597 = vector.broadcast %shift_left3A_1596 : i32 to vector<128x1024xi32>
    %shift_left3A_1598 = arith.shli %xor3A_1594, %shift_left3A_1597 : vector<128x1024xi32>
    %shift_right_logical3A_1599 = arith.constant 8 : i32
    %shift_right_logical3A_1600 = vector.broadcast %shift_right_logical3A_1599 : i32 to vector<128x1024xi32>
    %shift_right_logical3A_1601 = arith.shrui %xor3A_1594, %shift_right_logical3A_1600 : vector<128x1024xi32>
    %or3A_1602 = arith.ori %shift_left3A_1598, %shift_right_logical3A_1601 : vector<128x1024xi32>
    %xor3A_1603 = arith.xori %or3A_1602, %add3A_1595 : vector<128x1024xi32>
    %add3A_1604 = arith.constant 466688987 : i32
    %add3A_1605 = vector.broadcast %add3A_1604 : i32 to vector<128x1024xi32>
    %add3A_1606 = arith.addi %add3A_1595, %add3A_1605 : vector<128x1024xi32>
    %add3A_1607 = arith.constant 0 : i32
    %add3A_1608 = vector.broadcast %add3A_1607 : i32 to vector<128x1024xi32>
    %add3A_1609 = arith.addi %xor3A_1603, %add3A_1608 : vector<128x1024xi32>
    %add3A_1610 = arith.constant 2 : i32
    %add3A_1611 = vector.broadcast %add3A_1610 : i32 to vector<128x1024xi32>
    %add3A_1612 = arith.addi %add3A_1609, %add3A_1611 : vector<128x1024xi32>
    %add3A_1613 = arith.addi %add3A_1606, %add3A_1612 : vector<128x1024xi32>
    %shift_left3A_1614 = arith.constant 13 : i32
    %shift_left3A_1615 = vector.broadcast %shift_left3A_1614 : i32 to vector<128x1024xi32>
    %shift_left3A_1616 = arith.shli %add3A_1612, %shift_left3A_1615 : vector<128x1024xi32>
    %shift_right_logical3A_1617 = arith.constant 19 : i32
    %shift_right_logical3A_1618 = vector.broadcast %shift_right_logical3A_1617 : i32 to vector<128x1024xi32>
    %shift_right_logical3A_1619 = arith.shrui %add3A_1612, %shift_right_logical3A_1618 : vector<128x1024xi32>
    %or3A_1620 = arith.ori %shift_left3A_1616, %shift_right_logical3A_1619 : vector<128x1024xi32>
    %xor3A_1621 = arith.xori %or3A_1620, %add3A_1613 : vector<128x1024xi32>
    %add3A_1622 = arith.addi %add3A_1613, %xor3A_1621 : vector<128x1024xi32>
    %shift_left3A_1623 = arith.constant 15 : i32
    %shift_left3A_1624 = vector.broadcast %shift_left3A_1623 : i32 to vector<128x1024xi32>
    %shift_left3A_1625 = arith.shli %xor3A_1621, %shift_left3A_1624 : vector<128x1024xi32>
    %shift_right_logical3A_1626 = arith.constant 17 : i32
    %shift_right_logical3A_1627 = vector.broadcast %shift_right_logical3A_1626 : i32 to vector<128x1024xi32>
    %shift_right_logical3A_1628 = arith.shrui %xor3A_1621, %shift_right_logical3A_1627 : vector<128x1024xi32>
    %or3A_1629 = arith.ori %shift_left3A_1625, %shift_right_logical3A_1628 : vector<128x1024xi32>
    %xor3A_1630 = arith.xori %or3A_1629, %add3A_1622 : vector<128x1024xi32>
    %add3A_1631 = arith.addi %add3A_1622, %xor3A_1630 : vector<128x1024xi32>
    %shift_left3A_1632 = arith.constant 26 : i32
    %shift_left3A_1633 = vector.broadcast %shift_left3A_1632 : i32 to vector<128x1024xi32>
    %shift_left3A_1634 = arith.shli %xor3A_1630, %shift_left3A_1633 : vector<128x1024xi32>
    %shift_right_logical3A_1635 = arith.constant 6 : i32
    %shift_right_logical3A_1636 = vector.broadcast %shift_right_logical3A_1635 : i32 to vector<128x1024xi32>
    %shift_right_logical3A_1637 = arith.shrui %xor3A_1630, %shift_right_logical3A_1636 : vector<128x1024xi32>
    %or3A_1638 = arith.ori %shift_left3A_1634, %shift_right_logical3A_1637 : vector<128x1024xi32>
    %xor3A_1639 = arith.xori %or3A_1638, %add3A_1631 : vector<128x1024xi32>
    %add3A_1640 = arith.addi %add3A_1631, %xor3A_1639 : vector<128x1024xi32>
    %shift_left3A_1641 = arith.constant 6 : i32
    %shift_left3A_1642 = vector.broadcast %shift_left3A_1641 : i32 to vector<128x1024xi32>
    %shift_left3A_1643 = arith.shli %xor3A_1639, %shift_left3A_1642 : vector<128x1024xi32>
    %shift_right_logical3A_1644 = arith.constant 26 : i32
    %shift_right_logical3A_1645 = vector.broadcast %shift_right_logical3A_1644 : i32 to vector<128x1024xi32>
    %shift_right_logical3A_1646 = arith.shrui %xor3A_1639, %shift_right_logical3A_1645 : vector<128x1024xi32>
    %or3A_1647 = arith.ori %shift_left3A_1643, %shift_right_logical3A_1646 : vector<128x1024xi32>
    %xor3A_1648 = arith.xori %or3A_1647, %add3A_1640 : vector<128x1024xi32>
    %add3A_1649 = arith.constant 0 : i32
    %add3A_1650 = vector.broadcast %add3A_1649 : i32 to vector<128x1024xi32>
    %add3A_1651 = arith.addi %add3A_1640, %add3A_1650 : vector<128x1024xi32>
    %add3A_1652 = arith.constant 1 : i32
    %add3A_1653 = vector.broadcast %add3A_1652 : i32 to vector<128x1024xi32>
    %add3A_1654 = arith.addi %xor3A_1648, %add3A_1653 : vector<128x1024xi32>
    %add3A_1655 = arith.constant 3 : i32
    %add3A_1656 = vector.broadcast %add3A_1655 : i32 to vector<128x1024xi32>
    %add3A_1657 = arith.addi %add3A_1654, %add3A_1656 : vector<128x1024xi32>
    %add3A_1658 = arith.addi %add3A_1651, %add3A_1657 : vector<128x1024xi32>
    %shift_left3A_1659 = arith.constant 17 : i32
    %shift_left3A_1660 = vector.broadcast %shift_left3A_1659 : i32 to vector<128x1024xi32>
    %shift_left3A_1661 = arith.shli %add3A_1657, %shift_left3A_1660 : vector<128x1024xi32>
    %shift_right_logical3A_1662 = arith.constant 15 : i32
    %shift_right_logical3A_1663 = vector.broadcast %shift_right_logical3A_1662 : i32 to vector<128x1024xi32>
    %shift_right_logical3A_1664 = arith.shrui %add3A_1657, %shift_right_logical3A_1663 : vector<128x1024xi32>
    %or3A_1665 = arith.ori %shift_left3A_1661, %shift_right_logical3A_1664 : vector<128x1024xi32>
    %xor3A_1666 = arith.xori %or3A_1665, %add3A_1658 : vector<128x1024xi32>
    %add3A_1667 = arith.addi %add3A_1658, %xor3A_1666 : vector<128x1024xi32>
    %shift_left3A_1668 = arith.constant 29 : i32
    %shift_left3A_1669 = vector.broadcast %shift_left3A_1668 : i32 to vector<128x1024xi32>
    %shift_left3A_1670 = arith.shli %xor3A_1666, %shift_left3A_1669 : vector<128x1024xi32>
    %shift_right_logical3A_1671 = arith.constant 3 : i32
    %shift_right_logical3A_1672 = vector.broadcast %shift_right_logical3A_1671 : i32 to vector<128x1024xi32>
    %shift_right_logical3A_1673 = arith.shrui %xor3A_1666, %shift_right_logical3A_1672 : vector<128x1024xi32>
    %or3A_1674 = arith.ori %shift_left3A_1670, %shift_right_logical3A_1673 : vector<128x1024xi32>
    %xor3A_1675 = arith.xori %or3A_1674, %add3A_1667 : vector<128x1024xi32>
    %add3A_1676 = arith.addi %add3A_1667, %xor3A_1675 : vector<128x1024xi32>
    %shift_left3A_1677 = arith.constant 16 : i32
    %shift_left3A_1678 = vector.broadcast %shift_left3A_1677 : i32 to vector<128x1024xi32>
    %shift_left3A_1679 = arith.shli %xor3A_1675, %shift_left3A_1678 : vector<128x1024xi32>
    %shift_right_logical3A_1680 = arith.constant 16 : i32
    %shift_right_logical3A_1681 = vector.broadcast %shift_right_logical3A_1680 : i32 to vector<128x1024xi32>
    %shift_right_logical3A_1682 = arith.shrui %xor3A_1675, %shift_right_logical3A_1681 : vector<128x1024xi32>
    %or3A_1683 = arith.ori %shift_left3A_1679, %shift_right_logical3A_1682 : vector<128x1024xi32>
    %xor3A_1684 = arith.xori %or3A_1683, %add3A_1676 : vector<128x1024xi32>
    %add3A_1685 = arith.addi %add3A_1676, %xor3A_1684 : vector<128x1024xi32>
    %shift_left3A_1686 = arith.constant 24 : i32
    %shift_left3A_1687 = vector.broadcast %shift_left3A_1686 : i32 to vector<128x1024xi32>
    %shift_left3A_1688 = arith.shli %xor3A_1684, %shift_left3A_1687 : vector<128x1024xi32>
    %shift_right_logical3A_1689 = arith.constant 8 : i32
    %shift_right_logical3A_1690 = vector.broadcast %shift_right_logical3A_1689 : i32 to vector<128x1024xi32>
    %shift_right_logical3A_1691 = arith.shrui %xor3A_1684, %shift_right_logical3A_1690 : vector<128x1024xi32>
    %or3A_1692 = arith.ori %shift_left3A_1688, %shift_right_logical3A_1691 : vector<128x1024xi32>
    %xor3A_1693 = arith.xori %or3A_1692, %add3A_1685 : vector<128x1024xi32>
    %add3A_1694 = arith.constant 1 : i32
    %add3A_1695 = vector.broadcast %add3A_1694 : i32 to vector<128x1024xi32>
    %add3A_1696 = arith.addi %add3A_1685, %add3A_1695 : vector<128x1024xi32>
    %add3A_1697 = arith.constant 466688987 : i32
    %add3A_1698 = vector.broadcast %add3A_1697 : i32 to vector<128x1024xi32>
    %add3A_1699 = arith.addi %xor3A_1693, %add3A_1698 : vector<128x1024xi32>
    %add3A_1700 = arith.constant 4 : i32
    %add3A_1701 = vector.broadcast %add3A_1700 : i32 to vector<128x1024xi32>
    %add3A_1702 = arith.addi %add3A_1699, %add3A_1701 : vector<128x1024xi32>
    %add3A_1703 = arith.addi %add3A_1696, %add3A_1702 : vector<128x1024xi32>
    %shift_left3A_1704 = arith.constant 13 : i32
    %shift_left3A_1705 = vector.broadcast %shift_left3A_1704 : i32 to vector<128x1024xi32>
    %shift_left3A_1706 = arith.shli %add3A_1702, %shift_left3A_1705 : vector<128x1024xi32>
    %shift_right_logical3A_1707 = arith.constant 19 : i32
    %shift_right_logical3A_1708 = vector.broadcast %shift_right_logical3A_1707 : i32 to vector<128x1024xi32>
    %shift_right_logical3A_1709 = arith.shrui %add3A_1702, %shift_right_logical3A_1708 : vector<128x1024xi32>
    %or3A_1710 = arith.ori %shift_left3A_1706, %shift_right_logical3A_1709 : vector<128x1024xi32>
    %xor3A_1711 = arith.xori %or3A_1710, %add3A_1703 : vector<128x1024xi32>
    %add3A_1712 = arith.addi %add3A_1703, %xor3A_1711 : vector<128x1024xi32>
    %shift_left3A_1713 = arith.constant 15 : i32
    %shift_left3A_1714 = vector.broadcast %shift_left3A_1713 : i32 to vector<128x1024xi32>
    %shift_left3A_1715 = arith.shli %xor3A_1711, %shift_left3A_1714 : vector<128x1024xi32>
    %shift_right_logical3A_1716 = arith.constant 17 : i32
    %shift_right_logical3A_1717 = vector.broadcast %shift_right_logical3A_1716 : i32 to vector<128x1024xi32>
    %shift_right_logical3A_1718 = arith.shrui %xor3A_1711, %shift_right_logical3A_1717 : vector<128x1024xi32>
    %or3A_1719 = arith.ori %shift_left3A_1715, %shift_right_logical3A_1718 : vector<128x1024xi32>
    %xor3A_1720 = arith.xori %or3A_1719, %add3A_1712 : vector<128x1024xi32>
    %add3A_1721 = arith.addi %add3A_1712, %xor3A_1720 : vector<128x1024xi32>
    %shift_left3A_1722 = arith.constant 26 : i32
    %shift_left3A_1723 = vector.broadcast %shift_left3A_1722 : i32 to vector<128x1024xi32>
    %shift_left3A_1724 = arith.shli %xor3A_1720, %shift_left3A_1723 : vector<128x1024xi32>
    %shift_right_logical3A_1725 = arith.constant 6 : i32
    %shift_right_logical3A_1726 = vector.broadcast %shift_right_logical3A_1725 : i32 to vector<128x1024xi32>
    %shift_right_logical3A_1727 = arith.shrui %xor3A_1720, %shift_right_logical3A_1726 : vector<128x1024xi32>
    %or3A_1728 = arith.ori %shift_left3A_1724, %shift_right_logical3A_1727 : vector<128x1024xi32>
    %xor3A_1729 = arith.xori %or3A_1728, %add3A_1721 : vector<128x1024xi32>
    %add3A_1730 = arith.addi %add3A_1721, %xor3A_1729 : vector<128x1024xi32>
    %shift_left3A_1731 = arith.constant 6 : i32
    %shift_left3A_1732 = vector.broadcast %shift_left3A_1731 : i32 to vector<128x1024xi32>
    %shift_left3A_1733 = arith.shli %xor3A_1729, %shift_left3A_1732 : vector<128x1024xi32>
    %shift_right_logical3A_1734 = arith.constant 26 : i32
    %shift_right_logical3A_1735 = vector.broadcast %shift_right_logical3A_1734 : i32 to vector<128x1024xi32>
    %shift_right_logical3A_1736 = arith.shrui %xor3A_1729, %shift_right_logical3A_1735 : vector<128x1024xi32>
    %or3A_1737 = arith.ori %shift_left3A_1733, %shift_right_logical3A_1736 : vector<128x1024xi32>
    %xor3A_1738 = arith.xori %or3A_1737, %add3A_1730 : vector<128x1024xi32>
    %add3A_1739 = arith.constant 466688987 : i32
    %add3A_1740 = vector.broadcast %add3A_1739 : i32 to vector<128x1024xi32>
    %add3A_1741 = arith.addi %add3A_1730, %add3A_1740 : vector<128x1024xi32>
    %add3A_1742 = arith.constant 0 : i32
    %add3A_1743 = vector.broadcast %add3A_1742 : i32 to vector<128x1024xi32>
    %add3A_1744 = arith.addi %xor3A_1738, %add3A_1743 : vector<128x1024xi32>
    %add3A_1745 = arith.constant 5 : i32
    %add3A_1746 = vector.broadcast %add3A_1745 : i32 to vector<128x1024xi32>
    %add3A_1747 = arith.addi %add3A_1744, %add3A_1746 : vector<128x1024xi32>
    %xor3A_1748 = arith.xori %add3A_1741, %add3A_1747 : vector<128x1024xi32>
    %shift_right_logical3A_1749 = arith.constant 9 : i32
    %shift_right_logical3A_1750 = vector.broadcast %shift_right_logical3A_1749 : i32 to vector<128x1024xi32>
    %shift_right_logical3A_1751 = arith.shrui %xor3A_1748, %shift_right_logical3A_1750 : vector<128x1024xi32>
    %or3A_1752 = arith.constant 1065353216 : i32
    %or3A_1753 = vector.broadcast %or3A_1752 : i32 to vector<128x1024xi32>
    %or3A_1754 = arith.ori %shift_right_logical3A_1751, %or3A_1753 : vector<128x1024xi32>
    %bitcast_convert_type3A_1755 = tpu.bitcast %or3A_1754 : vector<128x1024xi32> -> vector<128x1024xf32>
    %sub3A_1756 = arith.constant 1.000000e+00 : f32
    %sub3A_1757 = vector.broadcast %sub3A_1756 : f32 to vector<128x1024xf32>
    %sub3A_1758 = arith.subf %bitcast_convert_type3A_1755, %sub3A_1757 : vector<128x1024xf32>
    %mul3A_1759 = arith.constant 2.000000e+00 : f32
    %mul3A_1760 = vector.broadcast %mul3A_1759 : f32 to vector<128x1024xf32>
    %mul3A_1761 = arith.mulf %sub3A_1758, %mul3A_1760 : vector<128x1024xf32>
    %add3A_1762 = arith.constant -0.99999994 : f32
    %add3A_1763 = vector.broadcast %add3A_1762 : f32 to vector<128x1024xf32>
    %add3A_1764 = arith.addf %mul3A_1761, %add3A_1763 : vector<128x1024xf32>
    %max3A_1765 = arith.constant -0.99999994 : f32
    %max3A_1766 = vector.broadcast %max3A_1765 : f32 to vector<128x1024xf32>
    %max3A_1767 = arith.maximumf %max3A_1766, %add3A_1764 : vector<128x1024xf32>
    %mul3A_1768 = arith.constant 1.41421354 : f32
    %mul3A_1769 = vector.broadcast %mul3A_1768 : f32 to vector<128x1024xf32>
    %mul3A_1770 = arith.mulf %mul3A_1769, %max3A_1767 : vector<128x1024xf32>
    %get3A_1771 = arith.constant 5 : index
    %get3A_1772 = arith.constant 0 : index
    %get3A_1773 = arith.constant 0 : index
    %get3A_1774 = vector.load %arg2[%get3A_1771, %get3A_1772, %get3A_1773] : memref<8x128x1024xf32, #tpu.memory_space<vmem>>, vector<1x128x1024xf32>
    %get3A_1775 = vector.shape_cast %get3A_1774 : vector<1x128x1024xf32> to vector<128x1024xf32>
    %mul3A_1776 = arith.mulf %dot_general3A_1498, %get3A_1775 : vector<128x1024xf32>
    %mul3A_1777 = arith.mulf %dot_general3A_1505, %mul3A_1770 : vector<128x1024xf32>
    %add3A_1778 = arith.addf %mul3A_1776, %mul3A_1777 : vector<128x1024xf32>
    %add3A_1779 = vector.broadcast %get3A_3 : f32 to vector<128x1024xf32>
    %add3A_1780 = arith.addf %add3A_1778, %add3A_1779 : vector<128x1024xf32>
    %swap3A_1781 = arith.constant 5 : index
    %swap3A_1782 = arith.constant 0 : index
    %swap3A_1783 = arith.constant 0 : index
    %swap3A_1784 = vector.load %arg7[%swap3A_1781, %swap3A_1782, %swap3A_1783] : memref<8x128x1024xf32, #tpu.memory_space<vmem>>, vector<1x128x1024xf32>
    %swap3A_1785 = vector.shape_cast %swap3A_1784 : vector<1x128x1024xf32> to vector<128x1024xf32>
    %swap3A_1786 = vector.shape_cast %add3A_1780 : vector<128x1024xf32> to vector<1x128x1024xf32>
    tpu.vector_store %arg7[%swap3A_1781, %swap3A_1782, %swap3A_1783], %swap3A_1786 {strides = array<i32>} : memref<8x128x1024xf32, #tpu.memory_space<vmem>>, vector<1x128x1024xf32>,
    %add3A_1787 = arith.constant 6 : i32
    %add3A_1788 = arith.addi %mul3A_4, %add3A_1787 : i32
    %get3A_1789 = arith.index_cast %add3A_1788 : i32 to index
    %get3A_1790 = memref.load %arg1[%get3A_1789] : memref<128xi32, #tpu.memory_space<smem>>
    %get3A_1791 = arith.index_cast %get3A_1790 : i32 to index
    %get3A_1792 = arith.constant 0 : index
    %get3A_1793 = arith.constant 0 : index
    %get3A_1794 = vector.load %arg3[%get3A_1791, %get3A_1792, %get3A_1793] : memref<40x128x32xf32, #tpu.memory_space<vmem>>, vector<1x128x32xf32>
    %get3A_1795 = vector.shape_cast %get3A_1794 : vector<1x128x32xf32> to vector<128x32xf32>
    %dot_general3A_1796 = arith.constant dense<0.000000e+00> : vector<128x1024xf32>
    %dot_general3A_1797 = tpu.matmul %get3A_1795, %get3A_1, %dot_general3A_1796 {dimension_numbers = #tpu.dot_dimension_numbers<[1], [0], [0], [1], [0, 0, 1, 1], [], []>, transpose_lhs_hint = false} : vector<128x32xf32>, vector<32x1024xf32>, vector<128x1024xf32> -> vector<128x1024xf32>
    %get3A_1798 = arith.index_cast %get3A_1790 : i32 to index
    %get3A_1799 = arith.constant 0 : index
    %get3A_1800 = arith.constant 0 : index
    %get3A_1801 = vector.load %arg4[%get3A_1798, %get3A_1799, %get3A_1800] : memref<40x128x32xf32, #tpu.memory_space<vmem>>, vector<1x128x32xf32>
    %get3A_1802 = vector.shape_cast %get3A_1801 : vector<1x128x32xf32> to vector<128x32xf32>
    %dot_general3A_1803 = arith.constant dense<0.000000e+00> : vector<128x1024xf32>
    %dot_general3A_1804 = tpu.matmul %get3A_1802, %get3A_1, %dot_general3A_1803 {dimension_numbers = #tpu.dot_dimension_numbers<[1], [0], [0], [1], [0, 0, 1, 1], [], []>, transpose_lhs_hint = false} : vector<128x32xf32>, vector<32x1024xf32>, vector<128x1024xf32> -> vector<128x1024xf32>
    %add3A_1805 = arith.constant 6 : i32
    %add3A_1806 = arith.addi %mul3A_4, %add3A_1805 : i32
    %mul3A_1807 = arith.constant 131072 : i32
    %mul3A_1808 = arith.muli %add3A_1806, %mul3A_1807 : i32
    %iota3A_1809 = tpu.iota {dimensions = array<i32: 0>} : vector<128x1024xi32>
    %iota3A_1810 = tpu.iota {dimensions = array<i32: 1>} : vector<128x1024xi32>
    %mul3A_1811 = arith.constant 1024 : i32
    %mul3A_1812 = vector.broadcast %mul3A_1811 : i32 to vector<128x1024xi32>
    %mul3A_1813 = arith.muli %iota3A_1809, %mul3A_1812 : vector<128x1024xi32>
    %add3A_1814 = vector.broadcast %mul3A_1808 : i32 to vector<128x1024xi32>
    %add3A_1815 = arith.addi %add3A_1814, %mul3A_1813 : vector<128x1024xi32>
    %add3A_1816 = arith.addi %add3A_1815, %iota3A_1810 : vector<128x1024xi32>
    %broadcast_in_dim3A_1817 = arith.constant 0 : i32
    %broadcast_in_dim3A_1818 = vector.broadcast %broadcast_in_dim3A_1817 : i32 to vector<128x1024xi32>
    %add3A_1819 = arith.constant 1 : i32
    %add3A_1820 = vector.broadcast %add3A_1819 : i32 to vector<128x1024xi32>
    %add3A_1821 = arith.addi %add3A_1816, %add3A_1820 : vector<128x1024xi32>
    %add3A_1822 = arith.addi %broadcast_in_dim3A_1818, %add3A_1821 : vector<128x1024xi32>
    %shift_left3A_1823 = arith.constant 13 : i32
    %shift_left3A_1824 = vector.broadcast %shift_left3A_1823 : i32 to vector<128x1024xi32>
    %shift_left3A_1825 = arith.shli %add3A_1821, %shift_left3A_1824 : vector<128x1024xi32>
    %shift_right_logical3A_1826 = arith.constant 19 : i32
    %shift_right_logical3A_1827 = vector.broadcast %shift_right_logical3A_1826 : i32 to vector<128x1024xi32>
    %shift_right_logical3A_1828 = arith.shrui %add3A_1821, %shift_right_logical3A_1827 : vector<128x1024xi32>
    %or3A_1829 = arith.ori %shift_left3A_1825, %shift_right_logical3A_1828 : vector<128x1024xi32>
    %xor3A_1830 = arith.xori %or3A_1829, %add3A_1822 : vector<128x1024xi32>
    %add3A_1831 = arith.addi %add3A_1822, %xor3A_1830 : vector<128x1024xi32>
    %shift_left3A_1832 = arith.constant 15 : i32
    %shift_left3A_1833 = vector.broadcast %shift_left3A_1832 : i32 to vector<128x1024xi32>
    %shift_left3A_1834 = arith.shli %xor3A_1830, %shift_left3A_1833 : vector<128x1024xi32>
    %shift_right_logical3A_1835 = arith.constant 17 : i32
    %shift_right_logical3A_1836 = vector.broadcast %shift_right_logical3A_1835 : i32 to vector<128x1024xi32>
    %shift_right_logical3A_1837 = arith.shrui %xor3A_1830, %shift_right_logical3A_1836 : vector<128x1024xi32>
    %or3A_1838 = arith.ori %shift_left3A_1834, %shift_right_logical3A_1837 : vector<128x1024xi32>
    %xor3A_1839 = arith.xori %or3A_1838, %add3A_1831 : vector<128x1024xi32>
    %add3A_1840 = arith.addi %add3A_1831, %xor3A_1839 : vector<128x1024xi32>
    %shift_left3A_1841 = arith.constant 26 : i32
    %shift_left3A_1842 = vector.broadcast %shift_left3A_1841 : i32 to vector<128x1024xi32>
    %shift_left3A_1843 = arith.shli %xor3A_1839, %shift_left3A_1842 : vector<128x1024xi32>
    %shift_right_logical3A_1844 = arith.constant 6 : i32
    %shift_right_logical3A_1845 = vector.broadcast %shift_right_logical3A_1844 : i32 to vector<128x1024xi32>
    %shift_right_logical3A_1846 = arith.shrui %xor3A_1839, %shift_right_logical3A_1845 : vector<128x1024xi32>
    %or3A_1847 = arith.ori %shift_left3A_1843, %shift_right_logical3A_1846 : vector<128x1024xi32>
    %xor3A_1848 = arith.xori %or3A_1847, %add3A_1840 : vector<128x1024xi32>
    %add3A_1849 = arith.addi %add3A_1840, %xor3A_1848 : vector<128x1024xi32>
    %shift_left3A_1850 = arith.constant 6 : i32
    %shift_left3A_1851 = vector.broadcast %shift_left3A_1850 : i32 to vector<128x1024xi32>
    %shift_left3A_1852 = arith.shli %xor3A_1848, %shift_left3A_1851 : vector<128x1024xi32>
    %shift_right_logical3A_1853 = arith.constant 26 : i32
    %shift_right_logical3A_1854 = vector.broadcast %shift_right_logical3A_1853 : i32 to vector<128x1024xi32>
    %shift_right_logical3A_1855 = arith.shrui %xor3A_1848, %shift_right_logical3A_1854 : vector<128x1024xi32>
    %or3A_1856 = arith.ori %shift_left3A_1852, %shift_right_logical3A_1855 : vector<128x1024xi32>
    %xor3A_1857 = arith.xori %or3A_1856, %add3A_1849 : vector<128x1024xi32>
    %add3A_1858 = arith.constant 1 : i32
    %add3A_1859 = vector.broadcast %add3A_1858 : i32 to vector<128x1024xi32>
    %add3A_1860 = arith.addi %add3A_1849, %add3A_1859 : vector<128x1024xi32>
    %add3A_1861 = arith.constant 466688987 : i32
    %add3A_1862 = vector.broadcast %add3A_1861 : i32 to vector<128x1024xi32>
    %add3A_1863 = arith.addi %xor3A_1857, %add3A_1862 : vector<128x1024xi32>
    %add3A_1864 = arith.constant 1 : i32
    %add3A_1865 = vector.broadcast %add3A_1864 : i32 to vector<128x1024xi32>
    %add3A_1866 = arith.addi %add3A_1863, %add3A_1865 : vector<128x1024xi32>
    %add3A_1867 = arith.addi %add3A_1860, %add3A_1866 : vector<128x1024xi32>
    %shift_left3A_1868 = arith.constant 17 : i32
    %shift_left3A_1869 = vector.broadcast %shift_left3A_1868 : i32 to vector<128x1024xi32>
    %shift_left3A_1870 = arith.shli %add3A_1866, %shift_left3A_1869 : vector<128x1024xi32>
    %shift_right_logical3A_1871 = arith.constant 15 : i32
    %shift_right_logical3A_1872 = vector.broadcast %shift_right_logical3A_1871 : i32 to vector<128x1024xi32>
    %shift_right_logical3A_1873 = arith.shrui %add3A_1866, %shift_right_logical3A_1872 : vector<128x1024xi32>
    %or3A_1874 = arith.ori %shift_left3A_1870, %shift_right_logical3A_1873 : vector<128x1024xi32>
    %xor3A_1875 = arith.xori %or3A_1874, %add3A_1867 : vector<128x1024xi32>
    %add3A_1876 = arith.addi %add3A_1867, %xor3A_1875 : vector<128x1024xi32>
    %shift_left3A_1877 = arith.constant 29 : i32
    %shift_left3A_1878 = vector.broadcast %shift_left3A_1877 : i32 to vector<128x1024xi32>
    %shift_left3A_1879 = arith.shli %xor3A_1875, %shift_left3A_1878 : vector<128x1024xi32>
    %shift_right_logical3A_1880 = arith.constant 3 : i32
    %shift_right_logical3A_1881 = vector.broadcast %shift_right_logical3A_1880 : i32 to vector<128x1024xi32>
    %shift_right_logical3A_1882 = arith.shrui %xor3A_1875, %shift_right_logical3A_1881 : vector<128x1024xi32>
    %or3A_1883 = arith.ori %shift_left3A_1879, %shift_right_logical3A_1882 : vector<128x1024xi32>
    %xor3A_1884 = arith.xori %or3A_1883, %add3A_1876 : vector<128x1024xi32>
    %add3A_1885 = arith.addi %add3A_1876, %xor3A_1884 : vector<128x1024xi32>
    %shift_left3A_1886 = arith.constant 16 : i32
    %shift_left3A_1887 = vector.broadcast %shift_left3A_1886 : i32 to vector<128x1024xi32>
    %shift_left3A_1888 = arith.shli %xor3A_1884, %shift_left3A_1887 : vector<128x1024xi32>
    %shift_right_logical3A_1889 = arith.constant 16 : i32
    %shift_right_logical3A_1890 = vector.broadcast %shift_right_logical3A_1889 : i32 to vector<128x1024xi32>
    %shift_right_logical3A_1891 = arith.shrui %xor3A_1884, %shift_right_logical3A_1890 : vector<128x1024xi32>
    %or3A_1892 = arith.ori %shift_left3A_1888, %shift_right_logical3A_1891 : vector<128x1024xi32>
    %xor3A_1893 = arith.xori %or3A_1892, %add3A_1885 : vector<128x1024xi32>
    %add3A_1894 = arith.addi %add3A_1885, %xor3A_1893 : vector<128x1024xi32>
    %shift_left3A_1895 = arith.constant 24 : i32
    %shift_left3A_1896 = vector.broadcast %shift_left3A_1895 : i32 to vector<128x1024xi32>
    %shift_left3A_1897 = arith.shli %xor3A_1893, %shift_left3A_1896 : vector<128x1024xi32>
    %shift_right_logical3A_1898 = arith.constant 8 : i32
    %shift_right_logical3A_1899 = vector.broadcast %shift_right_logical3A_1898 : i32 to vector<128x1024xi32>
    %shift_right_logical3A_1900 = arith.shrui %xor3A_1893, %shift_right_logical3A_1899 : vector<128x1024xi32>
    %or3A_1901 = arith.ori %shift_left3A_1897, %shift_right_logical3A_1900 : vector<128x1024xi32>
    %xor3A_1902 = arith.xori %or3A_1901, %add3A_1894 : vector<128x1024xi32>
    %add3A_1903 = arith.constant 466688987 : i32
    %add3A_1904 = vector.broadcast %add3A_1903 : i32 to vector<128x1024xi32>
    %add3A_1905 = arith.addi %add3A_1894, %add3A_1904 : vector<128x1024xi32>
    %add3A_1906 = arith.constant 0 : i32
    %add3A_1907 = vector.broadcast %add3A_1906 : i32 to vector<128x1024xi32>
    %add3A_1908 = arith.addi %xor3A_1902, %add3A_1907 : vector<128x1024xi32>
    %add3A_1909 = arith.constant 2 : i32
    %add3A_1910 = vector.broadcast %add3A_1909 : i32 to vector<128x1024xi32>
    %add3A_1911 = arith.addi %add3A_1908, %add3A_1910 : vector<128x1024xi32>
    %add3A_1912 = arith.addi %add3A_1905, %add3A_1911 : vector<128x1024xi32>
    %shift_left3A_1913 = arith.constant 13 : i32
    %shift_left3A_1914 = vector.broadcast %shift_left3A_1913 : i32 to vector<128x1024xi32>
    %shift_left3A_1915 = arith.shli %add3A_1911, %shift_left3A_1914 : vector<128x1024xi32>
    %shift_right_logical3A_1916 = arith.constant 19 : i32
    %shift_right_logical3A_1917 = vector.broadcast %shift_right_logical3A_1916 : i32 to vector<128x1024xi32>
    %shift_right_logical3A_1918 = arith.shrui %add3A_1911, %shift_right_logical3A_1917 : vector<128x1024xi32>
    %or3A_1919 = arith.ori %shift_left3A_1915, %shift_right_logical3A_1918 : vector<128x1024xi32>
    %xor3A_1920 = arith.xori %or3A_1919, %add3A_1912 : vector<128x1024xi32>
    %add3A_1921 = arith.addi %add3A_1912, %xor3A_1920 : vector<128x1024xi32>
    %shift_left3A_1922 = arith.constant 15 : i32
    %shift_left3A_1923 = vector.broadcast %shift_left3A_1922 : i32 to vector<128x1024xi32>
    %shift_left3A_1924 = arith.shli %xor3A_1920, %shift_left3A_1923 : vector<128x1024xi32>
    %shift_right_logical3A_1925 = arith.constant 17 : i32
    %shift_right_logical3A_1926 = vector.broadcast %shift_right_logical3A_1925 : i32 to vector<128x1024xi32>
    %shift_right_logical3A_1927 = arith.shrui %xor3A_1920, %shift_right_logical3A_1926 : vector<128x1024xi32>
    %or3A_1928 = arith.ori %shift_left3A_1924, %shift_right_logical3A_1927 : vector<128x1024xi32>
    %xor3A_1929 = arith.xori %or3A_1928, %add3A_1921 : vector<128x1024xi32>
    %add3A_1930 = arith.addi %add3A_1921, %xor3A_1929 : vector<128x1024xi32>
    %shift_left3A_1931 = arith.constant 26 : i32
    %shift_left3A_1932 = vector.broadcast %shift_left3A_1931 : i32 to vector<128x1024xi32>
    %shift_left3A_1933 = arith.shli %xor3A_1929, %shift_left3A_1932 : vector<128x1024xi32>
    %shift_right_logical3A_1934 = arith.constant 6 : i32
    %shift_right_logical3A_1935 = vector.broadcast %shift_right_logical3A_1934 : i32 to vector<128x1024xi32>
    %shift_right_logical3A_1936 = arith.shrui %xor3A_1929, %shift_right_logical3A_1935 : vector<128x1024xi32>
    %or3A_1937 = arith.ori %shift_left3A_1933, %shift_right_logical3A_1936 : vector<128x1024xi32>
    %xor3A_1938 = arith.xori %or3A_1937, %add3A_1930 : vector<128x1024xi32>
    %add3A_1939 = arith.addi %add3A_1930, %xor3A_1938 : vector<128x1024xi32>
    %shift_left3A_1940 = arith.constant 6 : i32
    %shift_left3A_1941 = vector.broadcast %shift_left3A_1940 : i32 to vector<128x1024xi32>
    %shift_left3A_1942 = arith.shli %xor3A_1938, %shift_left3A_1941 : vector<128x1024xi32>
    %shift_right_logical3A_1943 = arith.constant 26 : i32
    %shift_right_logical3A_1944 = vector.broadcast %shift_right_logical3A_1943 : i32 to vector<128x1024xi32>
    %shift_right_logical3A_1945 = arith.shrui %xor3A_1938, %shift_right_logical3A_1944 : vector<128x1024xi32>
    %or3A_1946 = arith.ori %shift_left3A_1942, %shift_right_logical3A_1945 : vector<128x1024xi32>
    %xor3A_1947 = arith.xori %or3A_1946, %add3A_1939 : vector<128x1024xi32>
    %add3A_1948 = arith.constant 0 : i32
    %add3A_1949 = vector.broadcast %add3A_1948 : i32 to vector<128x1024xi32>
    %add3A_1950 = arith.addi %add3A_1939, %add3A_1949 : vector<128x1024xi32>
    %add3A_1951 = arith.constant 1 : i32
    %add3A_1952 = vector.broadcast %add3A_1951 : i32 to vector<128x1024xi32>
    %add3A_1953 = arith.addi %xor3A_1947, %add3A_1952 : vector<128x1024xi32>
    %add3A_1954 = arith.constant 3 : i32
    %add3A_1955 = vector.broadcast %add3A_1954 : i32 to vector<128x1024xi32>
    %add3A_1956 = arith.addi %add3A_1953, %add3A_1955 : vector<128x1024xi32>
    %add3A_1957 = arith.addi %add3A_1950, %add3A_1956 : vector<128x1024xi32>
    %shift_left3A_1958 = arith.constant 17 : i32
    %shift_left3A_1959 = vector.broadcast %shift_left3A_1958 : i32 to vector<128x1024xi32>
    %shift_left3A_1960 = arith.shli %add3A_1956, %shift_left3A_1959 : vector<128x1024xi32>
    %shift_right_logical3A_1961 = arith.constant 15 : i32
    %shift_right_logical3A_1962 = vector.broadcast %shift_right_logical3A_1961 : i32 to vector<128x1024xi32>
    %shift_right_logical3A_1963 = arith.shrui %add3A_1956, %shift_right_logical3A_1962 : vector<128x1024xi32>
    %or3A_1964 = arith.ori %shift_left3A_1960, %shift_right_logical3A_1963 : vector<128x1024xi32>
    %xor3A_1965 = arith.xori %or3A_1964, %add3A_1957 : vector<128x1024xi32>
    %add3A_1966 = arith.addi %add3A_1957, %xor3A_1965 : vector<128x1024xi32>
    %shift_left3A_1967 = arith.constant 29 : i32
    %shift_left3A_1968 = vector.broadcast %shift_left3A_1967 : i32 to vector<128x1024xi32>
    %shift_left3A_1969 = arith.shli %xor3A_1965, %shift_left3A_1968 : vector<128x1024xi32>
    %shift_right_logical3A_1970 = arith.constant 3 : i32
    %shift_right_logical3A_1971 = vector.broadcast %shift_right_logical3A_1970 : i32 to vector<128x1024xi32>
    %shift_right_logical3A_1972 = arith.shrui %xor3A_1965, %shift_right_logical3A_1971 : vector<128x1024xi32>
    %or3A_1973 = arith.ori %shift_left3A_1969, %shift_right_logical3A_1972 : vector<128x1024xi32>
    %xor3A_1974 = arith.xori %or3A_1973, %add3A_1966 : vector<128x1024xi32>
    %add3A_1975 = arith.addi %add3A_1966, %xor3A_1974 : vector<128x1024xi32>
    %shift_left3A_1976 = arith.constant 16 : i32
    %shift_left3A_1977 = vector.broadcast %shift_left3A_1976 : i32 to vector<128x1024xi32>
    %shift_left3A_1978 = arith.shli %xor3A_1974, %shift_left3A_1977 : vector<128x1024xi32>
    %shift_right_logical3A_1979 = arith.constant 16 : i32
    %shift_right_logical3A_1980 = vector.broadcast %shift_right_logical3A_1979 : i32 to vector<128x1024xi32>
    %shift_right_logical3A_1981 = arith.shrui %xor3A_1974, %shift_right_logical3A_1980 : vector<128x1024xi32>
    %or3A_1982 = arith.ori %shift_left3A_1978, %shift_right_logical3A_1981 : vector<128x1024xi32>
    %xor3A_1983 = arith.xori %or3A_1982, %add3A_1975 : vector<128x1024xi32>
    %add3A_1984 = arith.addi %add3A_1975, %xor3A_1983 : vector<128x1024xi32>
    %shift_left3A_1985 = arith.constant 24 : i32
    %shift_left3A_1986 = vector.broadcast %shift_left3A_1985 : i32 to vector<128x1024xi32>
    %shift_left3A_1987 = arith.shli %xor3A_1983, %shift_left3A_1986 : vector<128x1024xi32>
    %shift_right_logical3A_1988 = arith.constant 8 : i32
    %shift_right_logical3A_1989 = vector.broadcast %shift_right_logical3A_1988 : i32 to vector<128x1024xi32>
    %shift_right_logical3A_1990 = arith.shrui %xor3A_1983, %shift_right_logical3A_1989 : vector<128x1024xi32>
    %or3A_1991 = arith.ori %shift_left3A_1987, %shift_right_logical3A_1990 : vector<128x1024xi32>
    %xor3A_1992 = arith.xori %or3A_1991, %add3A_1984 : vector<128x1024xi32>
    %add3A_1993 = arith.constant 1 : i32
    %add3A_1994 = vector.broadcast %add3A_1993 : i32 to vector<128x1024xi32>
    %add3A_1995 = arith.addi %add3A_1984, %add3A_1994 : vector<128x1024xi32>
    %add3A_1996 = arith.constant 466688987 : i32
    %add3A_1997 = vector.broadcast %add3A_1996 : i32 to vector<128x1024xi32>
    %add3A_1998 = arith.addi %xor3A_1992, %add3A_1997 : vector<128x1024xi32>
    %add3A_1999 = arith.constant 4 : i32
    %add3A_2000 = vector.broadcast %add3A_1999 : i32 to vector<128x1024xi32>
    %add3A_2001 = arith.addi %add3A_1998, %add3A_2000 : vector<128x1024xi32>
    %add3A_2002 = arith.addi %add3A_1995, %add3A_2001 : vector<128x1024xi32>
    %shift_left3A_2003 = arith.constant 13 : i32
    %shift_left3A_2004 = vector.broadcast %shift_left3A_2003 : i32 to vector<128x1024xi32>
    %shift_left3A_2005 = arith.shli %add3A_2001, %shift_left3A_2004 : vector<128x1024xi32>
    %shift_right_logical3A_2006 = arith.constant 19 : i32
    %shift_right_logical3A_2007 = vector.broadcast %shift_right_logical3A_2006 : i32 to vector<128x1024xi32>
    %shift_right_logical3A_2008 = arith.shrui %add3A_2001, %shift_right_logical3A_2007 : vector<128x1024xi32>
    %or3A_2009 = arith.ori %shift_left3A_2005, %shift_right_logical3A_2008 : vector<128x1024xi32>
    %xor3A_2010 = arith.xori %or3A_2009, %add3A_2002 : vector<128x1024xi32>
    %add3A_2011 = arith.addi %add3A_2002, %xor3A_2010 : vector<128x1024xi32>
    %shift_left3A_2012 = arith.constant 15 : i32
    %shift_left3A_2013 = vector.broadcast %shift_left3A_2012 : i32 to vector<128x1024xi32>
    %shift_left3A_2014 = arith.shli %xor3A_2010, %shift_left3A_2013 : vector<128x1024xi32>
    %shift_right_logical3A_2015 = arith.constant 17 : i32
    %shift_right_logical3A_2016 = vector.broadcast %shift_right_logical3A_2015 : i32 to vector<128x1024xi32>
    %shift_right_logical3A_2017 = arith.shrui %xor3A_2010, %shift_right_logical3A_2016 : vector<128x1024xi32>
    %or3A_2018 = arith.ori %shift_left3A_2014, %shift_right_logical3A_2017 : vector<128x1024xi32>
    %xor3A_2019 = arith.xori %or3A_2018, %add3A_2011 : vector<128x1024xi32>
    %add3A_2020 = arith.addi %add3A_2011, %xor3A_2019 : vector<128x1024xi32>
    %shift_left3A_2021 = arith.constant 26 : i32
    %shift_left3A_2022 = vector.broadcast %shift_left3A_2021 : i32 to vector<128x1024xi32>
    %shift_left3A_2023 = arith.shli %xor3A_2019, %shift_left3A_2022 : vector<128x1024xi32>
    %shift_right_logical3A_2024 = arith.constant 6 : i32
    %shift_right_logical3A_2025 = vector.broadcast %shift_right_logical3A_2024 : i32 to vector<128x1024xi32>
    %shift_right_logical3A_2026 = arith.shrui %xor3A_2019, %shift_right_logical3A_2025 : vector<128x1024xi32>
    %or3A_2027 = arith.ori %shift_left3A_2023, %shift_right_logical3A_2026 : vector<128x1024xi32>
    %xor3A_2028 = arith.xori %or3A_2027, %add3A_2020 : vector<128x1024xi32>
    %add3A_2029 = arith.addi %add3A_2020, %xor3A_2028 : vector<128x1024xi32>
    %shift_left3A_2030 = arith.constant 6 : i32
    %shift_left3A_2031 = vector.broadcast %shift_left3A_2030 : i32 to vector<128x1024xi32>
    %shift_left3A_2032 = arith.shli %xor3A_2028, %shift_left3A_2031 : vector<128x1024xi32>
    %shift_right_logical3A_2033 = arith.constant 26 : i32
    %shift_right_logical3A_2034 = vector.broadcast %shift_right_logical3A_2033 : i32 to vector<128x1024xi32>
    %shift_right_logical3A_2035 = arith.shrui %xor3A_2028, %shift_right_logical3A_2034 : vector<128x1024xi32>
    %or3A_2036 = arith.ori %shift_left3A_2032, %shift_right_logical3A_2035 : vector<128x1024xi32>
    %xor3A_2037 = arith.xori %or3A_2036, %add3A_2029 : vector<128x1024xi32>
    %add3A_2038 = arith.constant 466688987 : i32
    %add3A_2039 = vector.broadcast %add3A_2038 : i32 to vector<128x1024xi32>
    %add3A_2040 = arith.addi %add3A_2029, %add3A_2039 : vector<128x1024xi32>
    %add3A_2041 = arith.constant 0 : i32
    %add3A_2042 = vector.broadcast %add3A_2041 : i32 to vector<128x1024xi32>
    %add3A_2043 = arith.addi %xor3A_2037, %add3A_2042 : vector<128x1024xi32>
    %add3A_2044 = arith.constant 5 : i32
    %add3A_2045 = vector.broadcast %add3A_2044 : i32 to vector<128x1024xi32>
    %add3A_2046 = arith.addi %add3A_2043, %add3A_2045 : vector<128x1024xi32>
    %xor3A_2047 = arith.xori %add3A_2040, %add3A_2046 : vector<128x1024xi32>
    %shift_right_logical3A_2048 = arith.constant 9 : i32
    %shift_right_logical3A_2049 = vector.broadcast %shift_right_logical3A_2048 : i32 to vector<128x1024xi32>
    %shift_right_logical3A_2050 = arith.shrui %xor3A_2047, %shift_right_logical3A_2049 : vector<128x1024xi32>
    %or3A_2051 = arith.constant 1065353216 : i32
    %or3A_2052 = vector.broadcast %or3A_2051 : i32 to vector<128x1024xi32>
    %or3A_2053 = arith.ori %shift_right_logical3A_2050, %or3A_2052 : vector<128x1024xi32>
    %bitcast_convert_type3A_2054 = tpu.bitcast %or3A_2053 : vector<128x1024xi32> -> vector<128x1024xf32>
    %sub3A_2055 = arith.constant 1.000000e+00 : f32
    %sub3A_2056 = vector.broadcast %sub3A_2055 : f32 to vector<128x1024xf32>
    %sub3A_2057 = arith.subf %bitcast_convert_type3A_2054, %sub3A_2056 : vector<128x1024xf32>
    %mul3A_2058 = arith.constant 2.000000e+00 : f32
    %mul3A_2059 = vector.broadcast %mul3A_2058 : f32 to vector<128x1024xf32>
    %mul3A_2060 = arith.mulf %sub3A_2057, %mul3A_2059 : vector<128x1024xf32>
    %add3A_2061 = arith.constant -0.99999994 : f32
    %add3A_2062 = vector.broadcast %add3A_2061 : f32 to vector<128x1024xf32>
    %add3A_2063 = arith.addf %mul3A_2060, %add3A_2062 : vector<128x1024xf32>
    %max3A_2064 = arith.constant -0.99999994 : f32
    %max3A_2065 = vector.broadcast %max3A_2064 : f32 to vector<128x1024xf32>
    %max3A_2066 = arith.maximumf %max3A_2065, %add3A_2063 : vector<128x1024xf32>
    %mul3A_2067 = arith.constant 1.41421354 : f32
    %mul3A_2068 = vector.broadcast %mul3A_2067 : f32 to vector<128x1024xf32>
    %mul3A_2069 = arith.mulf %mul3A_2068, %max3A_2066 : vector<128x1024xf32>
    %get3A_2070 = arith.constant 6 : index
    %get3A_2071 = arith.constant 0 : index
    %get3A_2072 = arith.constant 0 : index
    %get3A_2073 = vector.load %arg2[%get3A_2070, %get3A_2071, %get3A_2072] : memref<8x128x1024xf32, #tpu.memory_space<vmem>>, vector<1x128x1024xf32>
    %get3A_2074 = vector.shape_cast %get3A_2073 : vector<1x128x1024xf32> to vector<128x1024xf32>
    %mul3A_2075 = arith.mulf %dot_general3A_1797, %get3A_2074 : vector<128x1024xf32>
    %mul3A_2076 = arith.mulf %dot_general3A_1804, %mul3A_2069 : vector<128x1024xf32>
    %add3A_2077 = arith.addf %mul3A_2075, %mul3A_2076 : vector<128x1024xf32>
    %add3A_2078 = vector.broadcast %get3A_3 : f32 to vector<128x1024xf32>
    %add3A_2079 = arith.addf %add3A_2077, %add3A_2078 : vector<128x1024xf32>
    %swap3A_2080 = arith.constant 6 : index
    %swap3A_2081 = arith.constant 0 : index
    %swap3A_2082 = arith.constant 0 : index
    %swap3A_2083 = vector.load %arg7[%swap3A_2080, %swap3A_2081, %swap3A_2082] : memref<8x128x1024xf32, #tpu.memory_space<vmem>>, vector<1x128x1024xf32>
    %swap3A_2084 = vector.shape_cast %swap3A_2083 : vector<1x128x1024xf32> to vector<128x1024xf32>
    %swap3A_2085 = vector.shape_cast %add3A_2079 : vector<128x1024xf32> to vector<1x128x1024xf32>
    tpu.vector_store %arg7[%swap3A_2080, %swap3A_2081, %swap3A_2082], %swap3A_2085 {strides = array<i32>} : memref<8x128x1024xf32, #tpu.memory_space<vmem>>, vector<1x128x1024xf32>,
    %add3A_2086 = arith.constant 7 : i32
    %add3A_2087 = arith.addi %mul3A_4, %add3A_2086 : i32
    %get3A_2088 = arith.index_cast %add3A_2087 : i32 to index
    %get3A_2089 = memref.load %arg1[%get3A_2088] : memref<128xi32, #tpu.memory_space<smem>>
    %get3A_2090 = arith.index_cast %get3A_2089 : i32 to index
    %get3A_2091 = arith.constant 0 : index
    %get3A_2092 = arith.constant 0 : index
    %get3A_2093 = vector.load %arg3[%get3A_2090, %get3A_2091, %get3A_2092] : memref<40x128x32xf32, #tpu.memory_space<vmem>>, vector<1x128x32xf32>
    %get3A_2094 = vector.shape_cast %get3A_2093 : vector<1x128x32xf32> to vector<128x32xf32>
    %dot_general3A_2095 = arith.constant dense<0.000000e+00> : vector<128x1024xf32>
    %dot_general3A_2096 = tpu.matmul %get3A_2094, %get3A_1, %dot_general3A_2095 {dimension_numbers = #tpu.dot_dimension_numbers<[1], [0], [0], [1], [0, 0, 1, 1], [], []>, transpose_lhs_hint = false} : vector<128x32xf32>, vector<32x1024xf32>, vector<128x1024xf32> -> vector<128x1024xf32>
    %get3A_2097 = arith.index_cast %get3A_2089 : i32 to index
    %get3A_2098 = arith.constant 0 : index
    %get3A_2099 = arith.constant 0 : index
    %get3A_2100 = vector.load %arg4[%get3A_2097, %get3A_2098, %get3A_2099] : memref<40x128x32xf32, #tpu.memory_space<vmem>>, vector<1x128x32xf32>
    %get3A_2101 = vector.shape_cast %get3A_2100 : vector<1x128x32xf32> to vector<128x32xf32>
    %dot_general3A_2102 = arith.constant dense<0.000000e+00> : vector<128x1024xf32>
    %dot_general3A_2103 = tpu.matmul %get3A_2101, %get3A_1, %dot_general3A_2102 {dimension_numbers = #tpu.dot_dimension_numbers<[1], [0], [0], [1], [0, 0, 1, 1], [], []>, transpose_lhs_hint = false} : vector<128x32xf32>, vector<32x1024xf32>, vector<128x1024xf32> -> vector<128x1024xf32>
    %add3A_2104 = arith.constant 7 : i32
    %add3A_2105 = arith.addi %mul3A_4, %add3A_2104 : i32
    %mul3A_2106 = arith.constant 131072 : i32
    %mul3A_2107 = arith.muli %add3A_2105, %mul3A_2106 : i32
    %iota3A_2108 = tpu.iota {dimensions = array<i32: 0>} : vector<128x1024xi32>
    %iota3A_2109 = tpu.iota {dimensions = array<i32: 1>} : vector<128x1024xi32>
    %mul3A_2110 = arith.constant 1024 : i32
    %mul3A_2111 = vector.broadcast %mul3A_2110 : i32 to vector<128x1024xi32>
    %mul3A_2112 = arith.muli %iota3A_2108, %mul3A_2111 : vector<128x1024xi32>
    %add3A_2113 = vector.broadcast %mul3A_2107 : i32 to vector<128x1024xi32>
    %add3A_2114 = arith.addi %add3A_2113, %mul3A_2112 : vector<128x1024xi32>
    %add3A_2115 = arith.addi %add3A_2114, %iota3A_2109 : vector<128x1024xi32>
    %broadcast_in_dim3A_2116 = arith.constant 0 : i32
    %broadcast_in_dim3A_2117 = vector.broadcast %broadcast_in_dim3A_2116 : i32 to vector<128x1024xi32>
    %add3A_2118 = arith.constant 1 : i32
    %add3A_2119 = vector.broadcast %add3A_2118 : i32 to vector<128x1024xi32>
    %add3A_2120 = arith.addi %add3A_2115, %add3A_2119 : vector<128x1024xi32>
    %add3A_2121 = arith.addi %broadcast_in_dim3A_2117, %add3A_2120 : vector<128x1024xi32>
    %shift_left3A_2122 = arith.constant 13 : i32
    %shift_left3A_2123 = vector.broadcast %shift_left3A_2122 : i32 to vector<128x1024xi32>
    %shift_left3A_2124 = arith.shli %add3A_2120, %shift_left3A_2123 : vector<128x1024xi32>
    %shift_right_logical3A_2125 = arith.constant 19 : i32
    %shift_right_logical3A_2126 = vector.broadcast %shift_right_logical3A_2125 : i32 to vector<128x1024xi32>
    %shift_right_logical3A_2127 = arith.shrui %add3A_2120, %shift_right_logical3A_2126 : vector<128x1024xi32>
    %or3A_2128 = arith.ori %shift_left3A_2124, %shift_right_logical3A_2127 : vector<128x1024xi32>
    %xor3A_2129 = arith.xori %or3A_2128, %add3A_2121 : vector<128x1024xi32>
    %add3A_2130 = arith.addi %add3A_2121, %xor3A_2129 : vector<128x1024xi32>
    %shift_left3A_2131 = arith.constant 15 : i32
    %shift_left3A_2132 = vector.broadcast %shift_left3A_2131 : i32 to vector<128x1024xi32>
    %shift_left3A_2133 = arith.shli %xor3A_2129, %shift_left3A_2132 : vector<128x1024xi32>
    %shift_right_logical3A_2134 = arith.constant 17 : i32
    %shift_right_logical3A_2135 = vector.broadcast %shift_right_logical3A_2134 : i32 to vector<128x1024xi32>
    %shift_right_logical3A_2136 = arith.shrui %xor3A_2129, %shift_right_logical3A_2135 : vector<128x1024xi32>
    %or3A_2137 = arith.ori %shift_left3A_2133, %shift_right_logical3A_2136 : vector<128x1024xi32>
    %xor3A_2138 = arith.xori %or3A_2137, %add3A_2130 : vector<128x1024xi32>
    %add3A_2139 = arith.addi %add3A_2130, %xor3A_2138 : vector<128x1024xi32>
    %shift_left3A_2140 = arith.constant 26 : i32
    %shift_left3A_2141 = vector.broadcast %shift_left3A_2140 : i32 to vector<128x1024xi32>
    %shift_left3A_2142 = arith.shli %xor3A_2138, %shift_left3A_2141 : vector<128x1024xi32>
    %shift_right_logical3A_2143 = arith.constant 6 : i32
    %shift_right_logical3A_2144 = vector.broadcast %shift_right_logical3A_2143 : i32 to vector<128x1024xi32>
    %shift_right_logical3A_2145 = arith.shrui %xor3A_2138, %shift_right_logical3A_2144 : vector<128x1024xi32>
    %or3A_2146 = arith.ori %shift_left3A_2142, %shift_right_logical3A_2145 : vector<128x1024xi32>
    %xor3A_2147 = arith.xori %or3A_2146, %add3A_2139 : vector<128x1024xi32>
    %add3A_2148 = arith.addi %add3A_2139, %xor3A_2147 : vector<128x1024xi32>
    %shift_left3A_2149 = arith.constant 6 : i32
    %shift_left3A_2150 = vector.broadcast %shift_left3A_2149 : i32 to vector<128x1024xi32>
    %shift_left3A_2151 = arith.shli %xor3A_2147, %shift_left3A_2150 : vector<128x1024xi32>
    %shift_right_logical3A_2152 = arith.constant 26 : i32
    %shift_right_logical3A_2153 = vector.broadcast %shift_right_logical3A_2152 : i32 to vector<128x1024xi32>
    %shift_right_logical3A_2154 = arith.shrui %xor3A_2147, %shift_right_logical3A_2153 : vector<128x1024xi32>
    %or3A_2155 = arith.ori %shift_left3A_2151, %shift_right_logical3A_2154 : vector<128x1024xi32>
    %xor3A_2156 = arith.xori %or3A_2155, %add3A_2148 : vector<128x1024xi32>
    %add3A_2157 = arith.constant 1 : i32
    %add3A_2158 = vector.broadcast %add3A_2157 : i32 to vector<128x1024xi32>
    %add3A_2159 = arith.addi %add3A_2148, %add3A_2158 : vector<128x1024xi32>
    %add3A_2160 = arith.constant 466688987 : i32
    %add3A_2161 = vector.broadcast %add3A_2160 : i32 to vector<128x1024xi32>
    %add3A_2162 = arith.addi %xor3A_2156, %add3A_2161 : vector<128x1024xi32>
    %add3A_2163 = arith.constant 1 : i32
    %add3A_2164 = vector.broadcast %add3A_2163 : i32 to vector<128x1024xi32>
    %add3A_2165 = arith.addi %add3A_2162, %add3A_2164 : vector<128x1024xi32>
    %add3A_2166 = arith.addi %add3A_2159, %add3A_2165 : vector<128x1024xi32>
    %shift_left3A_2167 = arith.constant 17 : i32
    %shift_left3A_2168 = vector.broadcast %shift_left3A_2167 : i32 to vector<128x1024xi32>
    %shift_left3A_2169 = arith.shli %add3A_2165, %shift_left3A_2168 : vector<128x1024xi32>
    %shift_right_logical3A_2170 = arith.constant 15 : i32
    %shift_right_logical3A_2171 = vector.broadcast %shift_right_logical3A_2170 : i32 to vector<128x1024xi32>
    %shift_right_logical3A_2172 = arith.shrui %add3A_2165, %shift_right_logical3A_2171 : vector<128x1024xi32>
    %or3A_2173 = arith.ori %shift_left3A_2169, %shift_right_logical3A_2172 : vector<128x1024xi32>
    %xor3A_2174 = arith.xori %or3A_2173, %add3A_2166 : vector<128x1024xi32>
    %add3A_2175 = arith.addi %add3A_2166, %xor3A_2174 : vector<128x1024xi32>
    %shift_left3A_2176 = arith.constant 29 : i32
    %shift_left3A_2177 = vector.broadcast %shift_left3A_2176 : i32 to vector<128x1024xi32>
    %shift_left3A_2178 = arith.shli %xor3A_2174, %shift_left3A_2177 : vector<128x1024xi32>
    %shift_right_logical3A_2179 = arith.constant 3 : i32
    %shift_right_logical3A_2180 = vector.broadcast %shift_right_logical3A_2179 : i32 to vector<128x1024xi32>
    %shift_right_logical3A_2181 = arith.shrui %xor3A_2174, %shift_right_logical3A_2180 : vector<128x1024xi32>
    %or3A_2182 = arith.ori %shift_left3A_2178, %shift_right_logical3A_2181 : vector<128x1024xi32>
    %xor3A_2183 = arith.xori %or3A_2182, %add3A_2175 : vector<128x1024xi32>
    %add3A_2184 = arith.addi %add3A_2175, %xor3A_2183 : vector<128x1024xi32>
    %shift_left3A_2185 = arith.constant 16 : i32
    %shift_left3A_2186 = vector.broadcast %shift_left3A_2185 : i32 to vector<128x1024xi32>
    %shift_left3A_2187 = arith.shli %xor3A_2183, %shift_left3A_2186 : vector<128x1024xi32>
    %shift_right_logical3A_2188 = arith.constant 16 : i32
    %shift_right_logical3A_2189 = vector.broadcast %shift_right_logical3A_2188 : i32 to vector<128x1024xi32>
    %shift_right_logical3A_2190 = arith.shrui %xor3A_2183, %shift_right_logical3A_2189 : vector<128x1024xi32>
    %or3A_2191 = arith.ori %shift_left3A_2187, %shift_right_logical3A_2190 : vector<128x1024xi32>
    %xor3A_2192 = arith.xori %or3A_2191, %add3A_2184 : vector<128x1024xi32>
    %add3A_2193 = arith.addi %add3A_2184, %xor3A_2192 : vector<128x1024xi32>
    %shift_left3A_2194 = arith.constant 24 : i32
    %shift_left3A_2195 = vector.broadcast %shift_left3A_2194 : i32 to vector<128x1024xi32>
    %shift_left3A_2196 = arith.shli %xor3A_2192, %shift_left3A_2195 : vector<128x1024xi32>
    %shift_right_logical3A_2197 = arith.constant 8 : i32
    %shift_right_logical3A_2198 = vector.broadcast %shift_right_logical3A_2197 : i32 to vector<128x1024xi32>
    %shift_right_logical3A_2199 = arith.shrui %xor3A_2192, %shift_right_logical3A_2198 : vector<128x1024xi32>
    %or3A_2200 = arith.ori %shift_left3A_2196, %shift_right_logical3A_2199 : vector<128x1024xi32>
    %xor3A_2201 = arith.xori %or3A_2200, %add3A_2193 : vector<128x1024xi32>
    %add3A_2202 = arith.constant 466688987 : i32
    %add3A_2203 = vector.broadcast %add3A_2202 : i32 to vector<128x1024xi32>
    %add3A_2204 = arith.addi %add3A_2193, %add3A_2203 : vector<128x1024xi32>
    %add3A_2205 = arith.constant 0 : i32
    %add3A_2206 = vector.broadcast %add3A_2205 : i32 to vector<128x1024xi32>
    %add3A_2207 = arith.addi %xor3A_2201, %add3A_2206 : vector<128x1024xi32>
    %add3A_2208 = arith.constant 2 : i32
    %add3A_2209 = vector.broadcast %add3A_2208 : i32 to vector<128x1024xi32>
    %add3A_2210 = arith.addi %add3A_2207, %add3A_2209 : vector<128x1024xi32>
    %add3A_2211 = arith.addi %add3A_2204, %add3A_2210 : vector<128x1024xi32>
    %shift_left3A_2212 = arith.constant 13 : i32
    %shift_left3A_2213 = vector.broadcast %shift_left3A_2212 : i32 to vector<128x1024xi32>
    %shift_left3A_2214 = arith.shli %add3A_2210, %shift_left3A_2213 : vector<128x1024xi32>
    %shift_right_logical3A_2215 = arith.constant 19 : i32
    %shift_right_logical3A_2216 = vector.broadcast %shift_right_logical3A_2215 : i32 to vector<128x1024xi32>
    %shift_right_logical3A_2217 = arith.shrui %add3A_2210, %shift_right_logical3A_2216 : vector<128x1024xi32>
    %or3A_2218 = arith.ori %shift_left3A_2214, %shift_right_logical3A_2217 : vector<128x1024xi32>
    %xor3A_2219 = arith.xori %or3A_2218, %add3A_2211 : vector<128x1024xi32>
    %add3A_2220 = arith.addi %add3A_2211, %xor3A_2219 : vector<128x1024xi32>
    %shift_left3A_2221 = arith.constant 15 : i32
    %shift_left3A_2222 = vector.broadcast %shift_left3A_2221 : i32 to vector<128x1024xi32>
    %shift_left3A_2223 = arith.shli %xor3A_2219, %shift_left3A_2222 : vector<128x1024xi32>
    %shift_right_logical3A_2224 = arith.constant 17 : i32
    %shift_right_logical3A_2225 = vector.broadcast %shift_right_logical3A_2224 : i32 to vector<128x1024xi32>
    %shift_right_logical3A_2226 = arith.shrui %xor3A_2219, %shift_right_logical3A_2225 : vector<128x1024xi32>
    %or3A_2227 = arith.ori %shift_left3A_2223, %shift_right_logical3A_2226 : vector<128x1024xi32>
    %xor3A_2228 = arith.xori %or3A_2227, %add3A_2220 : vector<128x1024xi32>
    %add3A_2229 = arith.addi %add3A_2220, %xor3A_2228 : vector<128x1024xi32>
    %shift_left3A_2230 = arith.constant 26 : i32
    %shift_left3A_2231 = vector.broadcast %shift_left3A_2230 : i32 to vector<128x1024xi32>
    %shift_left3A_2232 = arith.shli %xor3A_2228, %shift_left3A_2231 : vector<128x1024xi32>
    %shift_right_logical3A_2233 = arith.constant 6 : i32
    %shift_right_logical3A_2234 = vector.broadcast %shift_right_logical3A_2233 : i32 to vector<128x1024xi32>
    %shift_right_logical3A_2235 = arith.shrui %xor3A_2228, %shift_right_logical3A_2234 : vector<128x1024xi32>
    %or3A_2236 = arith.ori %shift_left3A_2232, %shift_right_logical3A_2235 : vector<128x1024xi32>
    %xor3A_2237 = arith.xori %or3A_2236, %add3A_2229 : vector<128x1024xi32>
    %add3A_2238 = arith.addi %add3A_2229, %xor3A_2237 : vector<128x1024xi32>
    %shift_left3A_2239 = arith.constant 6 : i32
    %shift_left3A_2240 = vector.broadcast %shift_left3A_2239 : i32 to vector<128x1024xi32>
    %shift_left3A_2241 = arith.shli %xor3A_2237, %shift_left3A_2240 : vector<128x1024xi32>
    %shift_right_logical3A_2242 = arith.constant 26 : i32
    %shift_right_logical3A_2243 = vector.broadcast %shift_right_logical3A_2242 : i32 to vector<128x1024xi32>
    %shift_right_logical3A_2244 = arith.shrui %xor3A_2237, %shift_right_logical3A_2243 : vector<128x1024xi32>
    %or3A_2245 = arith.ori %shift_left3A_2241, %shift_right_logical3A_2244 : vector<128x1024xi32>
    %xor3A_2246 = arith.xori %or3A_2245, %add3A_2238 : vector<128x1024xi32>
    %add3A_2247 = arith.constant 0 : i32
    %add3A_2248 = vector.broadcast %add3A_2247 : i32 to vector<128x1024xi32>
    %add3A_2249 = arith.addi %add3A_2238, %add3A_2248 : vector<128x1024xi32>
    %add3A_2250 = arith.constant 1 : i32
    %add3A_2251 = vector.broadcast %add3A_2250 : i32 to vector<128x1024xi32>
    %add3A_2252 = arith.addi %xor3A_2246, %add3A_2251 : vector<128x1024xi32>
    %add3A_2253 = arith.constant 3 : i32
    %add3A_2254 = vector.broadcast %add3A_2253 : i32 to vector<128x1024xi32>
    %add3A_2255 = arith.addi %add3A_2252, %add3A_2254 : vector<128x1024xi32>
    %add3A_2256 = arith.addi %add3A_2249, %add3A_2255 : vector<128x1024xi32>
    %shift_left3A_2257 = arith.constant 17 : i32
    %shift_left3A_2258 = vector.broadcast %shift_left3A_2257 : i32 to vector<128x1024xi32>
    %shift_left3A_2259 = arith.shli %add3A_2255, %shift_left3A_2258 : vector<128x1024xi32>
    %shift_right_logical3A_2260 = arith.constant 15 : i32
    %shift_right_logical3A_2261 = vector.broadcast %shift_right_logical3A_2260 : i32 to vector<128x1024xi32>
    %shift_right_logical3A_2262 = arith.shrui %add3A_2255, %shift_right_logical3A_2261 : vector<128x1024xi32>
    %or3A_2263 = arith.ori %shift_left3A_2259, %shift_right_logical3A_2262 : vector<128x1024xi32>
    %xor3A_2264 = arith.xori %or3A_2263, %add3A_2256 : vector<128x1024xi32>
    %add3A_2265 = arith.addi %add3A_2256, %xor3A_2264 : vector<128x1024xi32>
    %shift_left3A_2266 = arith.constant 29 : i32
    %shift_left3A_2267 = vector.broadcast %shift_left3A_2266 : i32 to vector<128x1024xi32>
    %shift_left3A_2268 = arith.shli %xor3A_2264, %shift_left3A_2267 : vector<128x1024xi32>
    %shift_right_logical3A_2269 = arith.constant 3 : i32
    %shift_right_logical3A_2270 = vector.broadcast %shift_right_logical3A_2269 : i32 to vector<128x1024xi32>
    %shift_right_logical3A_2271 = arith.shrui %xor3A_2264, %shift_right_logical3A_2270 : vector<128x1024xi32>
    %or3A_2272 = arith.ori %shift_left3A_2268, %shift_right_logical3A_2271 : vector<128x1024xi32>
    %xor3A_2273 = arith.xori %or3A_2272, %add3A_2265 : vector<128x1024xi32>
    %add3A_2274 = arith.addi %add3A_2265, %xor3A_2273 : vector<128x1024xi32>
    %shift_left3A_2275 = arith.constant 16 : i32
    %shift_left3A_2276 = vector.broadcast %shift_left3A_2275 : i32 to vector<128x1024xi32>
    %shift_left3A_2277 = arith.shli %xor3A_2273, %shift_left3A_2276 : vector<128x1024xi32>
    %shift_right_logical3A_2278 = arith.constant 16 : i32
    %shift_right_logical3A_2279 = vector.broadcast %shift_right_logical3A_2278 : i32 to vector<128x1024xi32>
    %shift_right_logical3A_2280 = arith.shrui %xor3A_2273, %shift_right_logical3A_2279 : vector<128x1024xi32>
    %or3A_2281 = arith.ori %shift_left3A_2277, %shift_right_logical3A_2280 : vector<128x1024xi32>
    %xor3A_2282 = arith.xori %or3A_2281, %add3A_2274 : vector<128x1024xi32>
    %add3A_2283 = arith.addi %add3A_2274, %xor3A_2282 : vector<128x1024xi32>
    %shift_left3A_2284 = arith.constant 24 : i32
    %shift_left3A_2285 = vector.broadcast %shift_left3A_2284 : i32 to vector<128x1024xi32>
    %shift_left3A_2286 = arith.shli %xor3A_2282, %shift_left3A_2285 : vector<128x1024xi32>
    %shift_right_logical3A_2287 = arith.constant 8 : i32
    %shift_right_logical3A_2288 = vector.broadcast %shift_right_logical3A_2287 : i32 to vector<128x1024xi32>
    %shift_right_logical3A_2289 = arith.shrui %xor3A_2282, %shift_right_logical3A_2288 : vector<128x1024xi32>
    %or3A_2290 = arith.ori %shift_left3A_2286, %shift_right_logical3A_2289 : vector<128x1024xi32>
    %xor3A_2291 = arith.xori %or3A_2290, %add3A_2283 : vector<128x1024xi32>
    %add3A_2292 = arith.constant 1 : i32
    %add3A_2293 = vector.broadcast %add3A_2292 : i32 to vector<128x1024xi32>
    %add3A_2294 = arith.addi %add3A_2283, %add3A_2293 : vector<128x1024xi32>
    %add3A_2295 = arith.constant 466688987 : i32
    %add3A_2296 = vector.broadcast %add3A_2295 : i32 to vector<128x1024xi32>
    %add3A_2297 = arith.addi %xor3A_2291, %add3A_2296 : vector<128x1024xi32>
    %add3A_2298 = arith.constant 4 : i32
    %add3A_2299 = vector.broadcast %add3A_2298 : i32 to vector<128x1024xi32>
    %add3A_2300 = arith.addi %add3A_2297, %add3A_2299 : vector<128x1024xi32>
    %add3A_2301 = arith.addi %add3A_2294, %add3A_2300 : vector<128x1024xi32>
    %shift_left3A_2302 = arith.constant 13 : i32
    %shift_left3A_2303 = vector.broadcast %shift_left3A_2302 : i32 to vector<128x1024xi32>
    %shift_left3A_2304 = arith.shli %add3A_2300, %shift_left3A_2303 : vector<128x1024xi32>
    %shift_right_logical3A_2305 = arith.constant 19 : i32
    %shift_right_logical3A_2306 = vector.broadcast %shift_right_logical3A_2305 : i32 to vector<128x1024xi32>
    %shift_right_logical3A_2307 = arith.shrui %add3A_2300, %shift_right_logical3A_2306 : vector<128x1024xi32>
    %or3A_2308 = arith.ori %shift_left3A_2304, %shift_right_logical3A_2307 : vector<128x1024xi32>
    %xor3A_2309 = arith.xori %or3A_2308, %add3A_2301 : vector<128x1024xi32>
    %add3A_2310 = arith.addi %add3A_2301, %xor3A_2309 : vector<128x1024xi32>
    %shift_left3A_2311 = arith.constant 15 : i32
    %shift_left3A_2312 = vector.broadcast %shift_left3A_2311 : i32 to vector<128x1024xi32>
    %shift_left3A_2313 = arith.shli %xor3A_2309, %shift_left3A_2312 : vector<128x1024xi32>
    %shift_right_logical3A_2314 = arith.constant 17 : i32
    %shift_right_logical3A_2315 = vector.broadcast %shift_right_logical3A_2314 : i32 to vector<128x1024xi32>
    %shift_right_logical3A_2316 = arith.shrui %xor3A_2309, %shift_right_logical3A_2315 : vector<128x1024xi32>
    %or3A_2317 = arith.ori %shift_left3A_2313, %shift_right_logical3A_2316 : vector<128x1024xi32>
    %xor3A_2318 = arith.xori %or3A_2317, %add3A_2310 : vector<128x1024xi32>
    %add3A_2319 = arith.addi %add3A_2310, %xor3A_2318 : vector<128x1024xi32>
    %shift_left3A_2320 = arith.constant 26 : i32
    %shift_left3A_2321 = vector.broadcast %shift_left3A_2320 : i32 to vector<128x1024xi32>
    %shift_left3A_2322 = arith.shli %xor3A_2318, %shift_left3A_2321 : vector<128x1024xi32>
    %shift_right_logical3A_2323 = arith.constant 6 : i32
    %shift_right_logical3A_2324 = vector.broadcast %shift_right_logical3A_2323 : i32 to vector<128x1024xi32>
    %shift_right_logical3A_2325 = arith.shrui %xor3A_2318, %shift_right_logical3A_2324 : vector<128x1024xi32>
    %or3A_2326 = arith.ori %shift_left3A_2322, %shift_right_logical3A_2325 : vector<128x1024xi32>
    %xor3A_2327 = arith.xori %or3A_2326, %add3A_2319 : vector<128x1024xi32>
    %add3A_2328 = arith.addi %add3A_2319, %xor3A_2327 : vector<128x1024xi32>
    %shift_left3A_2329 = arith.constant 6 : i32
    %shift_left3A_2330 = vector.broadcast %shift_left3A_2329 : i32 to vector<128x1024xi32>
    %shift_left3A_2331 = arith.shli %xor3A_2327, %shift_left3A_2330 : vector<128x1024xi32>
    %shift_right_logical3A_2332 = arith.constant 26 : i32
    %shift_right_logical3A_2333 = vector.broadcast %shift_right_logical3A_2332 : i32 to vector<128x1024xi32>
    %shift_right_logical3A_2334 = arith.shrui %xor3A_2327, %shift_right_logical3A_2333 : vector<128x1024xi32>
    %or3A_2335 = arith.ori %shift_left3A_2331, %shift_right_logical3A_2334 : vector<128x1024xi32>
    %xor3A_2336 = arith.xori %or3A_2335, %add3A_2328 : vector<128x1024xi32>
    %add3A_2337 = arith.constant 466688987 : i32
    %add3A_2338 = vector.broadcast %add3A_2337 : i32 to vector<128x1024xi32>
    %add3A_2339 = arith.addi %add3A_2328, %add3A_2338 : vector<128x1024xi32>
    %add3A_2340 = arith.constant 0 : i32
    %add3A_2341 = vector.broadcast %add3A_2340 : i32 to vector<128x1024xi32>
    %add3A_2342 = arith.addi %xor3A_2336, %add3A_2341 : vector<128x1024xi32>
    %add3A_2343 = arith.constant 5 : i32
    %add3A_2344 = vector.broadcast %add3A_2343 : i32 to vector<128x1024xi32>
    %add3A_2345 = arith.addi %add3A_2342, %add3A_2344 : vector<128x1024xi32>
    %xor3A_2346 = arith.xori %add3A_2339, %add3A_2345 : vector<128x1024xi32>
    %shift_right_logical3A_2347 = arith.constant 9 : i32
    %shift_right_logical3A_2348 = vector.broadcast %shift_right_logical3A_2347 : i32 to vector<128x1024xi32>
    %shift_right_logical3A_2349 = arith.shrui %xor3A_2346, %shift_right_logical3A_2348 : vector<128x1024xi32>
    %or3A_2350 = arith.constant 1065353216 : i32
    %or3A_2351 = vector.broadcast %or3A_2350 : i32 to vector<128x1024xi32>
    %or3A_2352 = arith.ori %shift_right_logical3A_2349, %or3A_2351 : vector<128x1024xi32>
    %bitcast_convert_type3A_2353 = tpu.bitcast %or3A_2352 : vector<128x1024xi32> -> vector<128x1024xf32>
    %sub3A_2354 = arith.constant 1.000000e+00 : f32
    %sub3A_2355 = vector.broadcast %sub3A_2354 : f32 to vector<128x1024xf32>
    %sub3A_2356 = arith.subf %bitcast_convert_type3A_2353, %sub3A_2355 : vector<128x1024xf32>
    %mul3A_2357 = arith.constant 2.000000e+00 : f32
    %mul3A_2358 = vector.broadcast %mul3A_2357 : f32 to vector<128x1024xf32>
    %mul3A_2359 = arith.mulf %sub3A_2356, %mul3A_2358 : vector<128x1024xf32>
    %add3A_2360 = arith.constant -0.99999994 : f32
    %add3A_2361 = vector.broadcast %add3A_2360 : f32 to vector<128x1024xf32>
    %add3A_2362 = arith.addf %mul3A_2359, %add3A_2361 : vector<128x1024xf32>
    %max3A_2363 = arith.constant -0.99999994 : f32
    %max3A_2364 = vector.broadcast %max3A_2363 : f32 to vector<128x1024xf32>
    %max3A_2365 = arith.maximumf %max3A_2364, %add3A_2362 : vector<128x1024xf32>
    %mul3A_2366 = arith.constant 1.41421354 : f32
    %mul3A_2367 = vector.broadcast %mul3A_2366 : f32 to vector<128x1024xf32>
    %mul3A_2368 = arith.mulf %mul3A_2367, %max3A_2365 : vector<128x1024xf32>
    %get3A_2369 = arith.constant 7 : index
    %get3A_2370 = arith.constant 0 : index
    %get3A_2371 = arith.constant 0 : index
    %get3A_2372 = vector.load %arg2[%get3A_2369, %get3A_2370, %get3A_2371] : memref<8x128x1024xf32, #tpu.memory_space<vmem>>, vector<1x128x1024xf32>
    %get3A_2373 = vector.shape_cast %get3A_2372 : vector<1x128x1024xf32> to vector<128x1024xf32>
    %mul3A_2374 = arith.mulf %dot_general3A_2096, %get3A_2373 : vector<128x1024xf32>
    %mul3A_2375 = arith.mulf %dot_general3A_2103, %mul3A_2368 : vector<128x1024xf32>
    %add3A_2376 = arith.addf %mul3A_2374, %mul3A_2375 : vector<128x1024xf32>
    %add3A_2377 = vector.broadcast %get3A_3 : f32 to vector<128x1024xf32>
    %add3A_2378 = arith.addf %add3A_2376, %add3A_2377 : vector<128x1024xf32>
    %swap3A_2379 = arith.constant 7 : index
    %swap3A_2380 = arith.constant 0 : index
    %swap3A_2381 = arith.constant 0 : index
    %swap3A_2382 = vector.load %arg7[%swap3A_2379, %swap3A_2380, %swap3A_2381] : memref<8x128x1024xf32, #tpu.memory_space<vmem>>, vector<1x128x1024xf32>
    %swap3A_2383 = vector.shape_cast %swap3A_2382 : vector<1x128x1024xf32> to vector<128x1024xf32>
    %swap3A_2384 = vector.shape_cast %add3A_2378 : vector<128x1024xf32> to vector<1x128x1024xf32>
    tpu.vector_store %arg7[%swap3A_2379, %swap3A_2380, %swap3A_2381], %swap3A_2384 {strides = array<i32>} : memref<8x128x1024xf32, #tpu.memory_space<vmem>>, vector<1x128x1024xf32>,
    return
  }
  func.func @transform_0(%arg0: i32, %arg1: memref<128xi32, #tpu.memory_space<smem>>) -> (i32, i32, i32) {
    %c0_i32 = arith.constant 0 : i32
    %c0_i32_0 = arith.constant 0 : i32
    %c0_i32_1 = arith.constant 0 : i32
    return %arg0, %c0_i32, %c0_i32_0 : i32, i32, i32
  }
  func.func @transform_1(%arg0: i32, %arg1: memref<128xi32, #tpu.memory_space<smem>>) -> (i32, i32, i32) {
    %c0_i32 = arith.constant 0 : i32
    %c0_i32_0 = arith.constant 0 : i32
    %c0_i32_1 = arith.constant 0 : i32
    %c0_i32_2 = arith.constant 0 : i32
    return %c0_i32, %c0_i32_0, %c0_i32_1 : i32, i32, i32
  }
  func.func @transform_2(%arg0: i32, %arg1: memref<128xi32, #tpu.memory_space<smem>>) -> (i32, i32, i32) {
    %c0_i32 = arith.constant 0 : i32
    %c0_i32_0 = arith.constant 0 : i32
    %c0_i32_1 = arith.constant 0 : i32
    %c0_i32_2 = arith.constant 0 : i32
    return %c0_i32, %c0_i32_0, %c0_i32_1 : i32, i32, i32
  }
  func.func @transform_3(%arg0: i32, %arg1: memref<128xi32, #tpu.memory_space<smem>>) -> (i32, i32) {
    %c0_i32 = arith.constant 0 : i32
    %c0_i32_0 = arith.constant 0 : i32
    %c0_i32_1 = arith.constant 0 : i32
    return %c0_i32, %c0_i32_0 : i32, i32
  }
  func.func @transform_4(%arg0: i32, %arg1: memref<128xi32, #tpu.memory_space<smem>>) -> i32 {
    %c0_i32 = arith.constant 0 : i32
    %c0_i32_0 = arith.constant 0 : i32
    return %c0_i32 : i32
  }
  func.func @transform_5(%arg0: i32, %arg1: memref<128xi32, #tpu.memory_space<smem>>) -> (i32, i32, i32) {
    %c0_i32 = arith.constant 0 : i32
    %c0_i32_0 = arith.constant 0 : i32
    %c0_i32_1 = arith.constant 0 : i32
    return %arg0, %c0_i32, %c0_i32_0 : i32, i32, i32
  }
}

</mosaic_0001>

<sc_bundles>
// kernel: sparse-core-data-format-call.cloned.1.call-start
scs
called_computation_lowered:
.L_overlay_start_0:
0x0: {  	s2 =	sld [smem:$0x3FD9]  }
0x1: {  	s3 =	sld [smem:$0x3FFE];
	_ =	sdelay $0x1  }
0x2: {  	s1 =	srdreg.scid  }
0x3: {  	s0 =	sand.u32 $0x1, s1  }
0x4: {  	s18 =	sshll.u32 s0, $0xA;
	s2 =	sadd.s32 s3, s2  }
0x5: {  	s2 =	sadd.s32 s2, s18  }
0x6: {  	[smem:$0x3FC3] =	sst s2  }
0x7: {  	_ = 	snop  }
0x8: {  	s2 =	sld [smem:$0x3FD0];
	(tm) =	ssettm $0x1  }
0x9: {  	s19 =	sld [smem:$0x3FFB];
	_ =	sdelay $0x3  }
0xa: {  	_ =	strace s19  }
0xb: {  	s3 =	sld [smem:$0x3FFC];
	_ =	sdelay $0x3  }
0xc: {  	_ =	strace s3  }
0xd: {  	s3 =	sld [smem:$0x3FFD];
	_ =	sdelay $0x3  }
0xe: {  	_ =	strace s3  }
0xf: {  	_ =	strace $0x8FFFFFFF  }
0x10: {  	s20 =	sld [smem:$0x3FDB];
	_ =	sdelay $0x1  }
0x11: {  	s4 =	simm.s32 $_scs_section_size  }
0x12: {  	s5 =	simm.s32 $_size__tile_overlayer_lowered;
	s6 =	simm.s32 $_tile_overlayer_lowered  }
0x13: {  	s23 =	simm.s32 $0x1BFF;
	s22 =	sshll.u32 s6, $0x1;
	s3 =	sadd.s32 s4, s20  }
0x14: {  	s7 =	simm.s32 $0x0;
	s21 =	sshll.u32 s5, $0x1;
	s5 =	sadd.s32 s22, s3  }
0x15: {  	[timem:s7], [sflag:s23] =	dma.local [hbm:s5], s21  }
0x16: {  	_ =	swait.ge [sflag:s23], s21  }
0x17: {  	s4 =	ssub.s32 $0x0, s21;
	[sflag:s23] =	ssyncset.done $0x0  }
0x18: {  	[sflag:s23] =	ssyncadd.s32 s4;
	_ =	sdelay $0x1  }
0x19: {  	s24 =	simm.s32 $0x1B8B  }
0x1a: {  	_ =	swait.ge [sflag:s24], $0x1  }
0x1b: {  	[sflag:s24] =	ssyncset.done $0x0  }
0x1c: {  	s26 =	simm.s32 $0x1B8E;
	s25 =	sld [smem:$0x3FFE];
	[sflag:s24] =	ssyncadd.s32 $0xFFFFFFFF  }
0x1d: {  	s27 =	simm.s32 $execute0_lowered;
	[smem:$0x3FD2] =	sst s26  }
0x1e: {  	s5 =	sshll.u32 s27, $0x1;
	_ =	strace $0x80000046;
	[dreg:$0x1] =	wrdreg $0xFFFFFFFF  }
0x1f: {  	s28 =	simm.s32 $_size_execute0_lowered;
	s3 =	sadd.s32 s3, s5;
	[dreg:$0x0] =	wrdreg $0x0  }
0x20: {  	s5 =	sshll.u32 s28, $0x1;
	[dreg:$0x2] =	wrdreg s3  }
0x21: {  	[dreg:$0x3] =	wrdreg s5  }
0x22: {  	[dreg:$0x4] =	wrdreg $0xC0  }
0x23: {  	_ =	task [dreg:s7], $0x5FFFF  }
0x24: {  	[dreg:$0x1] =	wrdreg $0xFFFFFFFF  }
0x25: {  	[dreg:$0x0] =	wrdreg $0x60  }
0x26: {  	[dreg:$0x2] =	wrdreg s25  }
0x27: {  	[dreg:$0x3] =	wrdreg s2  }
0x28: {  	[dreg:$0x4] =	wrdreg $0x9  }
0x29: {  	_ =	task.clear_ibuf [dreg:s7], $0x5FFFF;
	_ =	strace $0x90000046  }
0x2a: {  	s29 =	simm.s32 $0x9;
	_ =	strace $0x80000048  }
0x2b: {  	_ =	swait.ge [sflag:s29], $0x1  }
0x2c: {  	[sflag:s29] =	ssyncadd.s32 $0xFFFFFFFF  }
0x2d: {  	_ =	strace $0x90000048  }
0x2e: {  	_ =	sfence  }
0x2f: {  	s30 =	sld [smem:$0x0];
	_ =	sdelay $0x2  }
0x30: {  	s31 =	sshll.u32 s1, $0xD;
	s1 =	sshrl.u32 s1, $0x2  }
0x31: {  	s3 =	sand.u32 $0x4000, s31;
	s1 =	sadd.s32 s1, s30  }
0x32: {  	s0 =	sor.u32 s3, s0;
	s1 =	sshll.u32 s1, $0x11  }
0x33: {  	s0 =	sor.u32 s1, s0  }
0x34: {  	s0 =	sadd.s32 $0x8F2B, s0  }
0x35: {  	[sflag:s0] =	ssyncadd.remote.s32 $0x1  }
0x36: {  	_ =	sfence.sel $0xFFFF  }
0x37: {  	[dreg:$0x0] =	wrdreg $0xFFFFFFFF;
	(pc) =	sbr.abs _section_cstart, $3  }
0x38: {  	[dreg:$0x1] =	wrdreg $0xFFFFFFFF  }
0x39: {  	_ =	task.clear_ibuf [dreg:s7], $0x2FFFF;
	_ =	strace $0x9FFFFFFF  }
0x3a: {  	(tm) =	ssettm $0x7FFFFFFF  }
0x3b: {  	_ =	shalt  }
tec
execute0_lowered:
.L_overlay_start_1:
0x0: {  	(tag) =	ssettag $0x1  }
0x1: {  	s0 =	srdreg.scid  }
0x2: {  	s1 =	sshll.u32 s0, $0x4  }
0x3: {  	s6 =	rddreg [dreg:$0x0];
	s0 =	stileid.u32;
	s1 =	sand.u32 $0x10, s1  }
0x4: {  	s3 =	rddreg [dreg:$0x1];
	s5 =	simm.s32 $0x1;
	s1 =	sor.u32 s0, s1  }
0x5: {  	s31 =	simm.s32 $0x2;
	s13 =	simm.s32 $0x0;
	s2 =	sshll.u32 s1, $0x7  }
0x6: {  	s8 =	simm.s32 $0x20000;
	s12 =	simm.s32 $0x0;
	s4 =	ssub.s32 $0x1000, s2  }
0x7: {  	s9 =	simm.s32 $0x0;
	s11 =	simm.s32 $0x0;
	s30 =	sand.u32 $0xF80, s4  }
.Ltmp0:
0x8: {  	s6 =	sadd.s32 $0x600, s6;
	p0 =	sne.s32 s30, $0x0;
	(pc) =	sbr.rel .LBB1_1-.Ltmp0, $4  }
0x9: {  	s1 =	rddreg [dreg:$0x2];
	s7 =	sshrl.u32 s4, $0xC;
	s5 =	simm.s32 @!p0 $0x0  }
0xa: {  	_ =	strace $0x80000047;
	s4 =	simm.s32 $0x1;
	s5 =	sadd.s32 s5, s7  }
0xb: {  	s10 =	smov.u32 s2;
	[sflag:s4] =	ssyncpa.u1 $0x0;
	s5 =	sshll.u32 s5, $0x5  }
0xc: {  	[sflag:s31] =	ssyncpa.u1 $0x0;
	p0 =	por $0x0, $0x0;
	s7 =	sor.u32 $0x1, s5  }
.LBB1_4:
0xd: {  	v5 =	vld [tilespmem:s16+$0xFFFFFFD0];
	[tilespmem:s17+$0x2040 ss:$0x81] =	vst.msk $0xffff, v1  }
0xe: {  	v58 =	vld [tilespmem:s16+$0xFFFFFFE0];
	[tilespmem:s17+$0x2850 ss:$0x81] =	vst.msk $0xffff, v2  }
0xf: {  	s18 =	sshra.s32 s18, $0x2;
	v59 =	vld [tilespmem:s16+$0xFFFFFFF0];
	[tilespmem:s17+$0x3060 ss:$0x81] =	vst.msk $0xffff, v3  }
0x10: {  	v60 =	vld [tilespmem:s16+$0x0];
	[tilespmem:s17+$0x0 ss:$0x81] =	vst.msk $0xffff, v0;
	s15 =	sadd.s32 s18, s15  }
0x11: {  	v61 =	vld [tilespmem:s16+$0x10];
	s26 =	sshll.u32 s13, $0xC;
	[tilespmem:s15+$0x3870 ss:$0x81] =	vst.msk $0xffff, v4  }
0x12: {  	v62 =	vld [tilespmem:s16+$0x20];
	s27 =	sand.u32 $0x78, s12;
	s19 =	sshll.u32 s12, $0x3;
	s29 =	sshll.u32 s13, $0x7;
	[tilespmem:s15+$0x810 ss:$0x81] =	vst.msk $0xffff, v5  }
0x13: {  	v63 =	vld [tilespmem:s16+$0xFFFFFFC0];
	s17 =	sand.u32 $0x18000, s26;
	s28 =	sand.u32 $0x1FC00, s19;
	s19 =	sand.u32 $0xC00, s19;
	[tilespmem:s15+$0x1020 ss:$0x81] =	vst.msk $0xffff, v58  }
0x14: {  	s13 =	sand.u32 $0x380, s29;
	s16 =	sadd.s32 s28, s17;
	s30 =	sor.u32 s27, s19;
	[tilespmem:s15+$0x1830 ss:$0x81] =	vst.msk $0xffff, v59  }
0x15: {  	s16 =	sand.u32 $0x1F000, s16;
	s13 =	sor.u32 s13, s30;
	[tilespmem:s15+$0x2040 ss:$0x81] =	vst.msk $0xffff, v60  }
0x16: {  	s31 =	sand.u32 $0x7, s12;
	s13 =	sor.u32 s16, s13;
	[tilespmem:s15+$0x2850 ss:$0x81] =	vst.msk $0xffff, v61  }
0x17: {  	s12 =	sshll.u32 s31, $0x12;
	[tilespmem:s15+$0x3060 ss:$0x81] =	vst.msk $0xffff, v62;
	s13 =	sshrl.u32 s13, $0x3  }
0x18: {  	s12 =	sor.u32 $0x80, s12;
	[tilespmem:s15+$0x0 ss:$0x81] =	vst.msk $0xffff, v63;
	s13 =	sadd.s32 s3, s13  }
0x19: {  	[hbm4b:s13+s12] =	stream.strided.scatter [tilespmem:s14], [sflag:$0x2], $0x4000, s8, s12, $0x20;
	[tilespmem:$0x10100] =	vst v63  }
.LBB1_5:
0x1a: {  	s14 =	sadd.s32 $0x1, s9  }
0x1b: {  	s12 =	sadd.s32 $0x1000, s10;
	s16 =	smov.u32 s10;
	p2 =	sgt.s32 s14, $0x1F  }
0x1c: {  	s16 =	smov.u32 @p2 s12  }
0x1d: {  	s14 =	simm.s32 @p2 $0x0;
	p2 =	sgt.s32 s16, $0xFFF  }
0x1e: {  	s16 =	smov.u32 @p2 s2;
	p2 =	sne.s32 s11, s7  }
.Ltmp1:
0x1f: {  	p1 =	slt.u32 s11, $0x2;
	(pc) =	sbr.rel @!p2 .LBB1_6-.Ltmp1, $4  }
0x20: {  	s15 =	simm.s32 @!p1 $0x2  }
0x21: {  	s13 =	smov.u32 s9;
	p0 =	por !p0, !p0;
	_ =	swait.ge @!p1 [sflag:s15], $0x4000  }
0x22: {  	s12 =	smov.u32 s10;
	[sflag:s15] =	ssyncset.done @!p1 $0x0;
	s9 =	smov.u32 s14  }
0x23: {  	s11 =	sadd.s32 $0x1, s11;
	[sflag:s15] =	ssyncadd.s32 @!p1 $0xFFFFC000;
	s10 =	smov.u32 s16  }
.LBB1_1:
0x24: {  	p1 =	sge.u32 s11, s5  }
0x25: {  	s31 =	sadd.s32 $0xFFFFFFFF, s11;
	s14 =	sxor.u32 @!p1 $0xFFFFFFFF, s11  }
0x26: {  	s15 =	sshll.u32 @!p1 s10, $0x9;
	s16 =	sshll.u32 @!p1 s9, $0x4;
	s17 =	simm.s32 @!p1 $0x1000  }
0x27: {  	s14 =	sshll.u32 @!p1 s14, $0xE;
	s16 =	sand.u32 @!p1 $0x1F0, s16;
	s15 =	sadd.s32 @!p1 s6, s15  }
0x28: {  	s14 =	sand.u32 @!p1 $0x4000, s14;
	s15 =	sadd.s32 @!p1 s16, s15;
	s16 =	simm.s32 @!p1 $0x80  }
0x29: {  	[tilespmem:s14], [sflag:$0x1] =	stream.strided.gather @!p1 [hbm4b:s15+s16], $0x4000, s17, s16, $0x38;
	[tilespmem:$0x10100] =	vst v63  }
0x2a: {  	p1 =	sge.u32 s31, s5  }
.Ltmp2:
0x2b: {  	_ = 	snop;
	(pc) =	sbr.rel @p1 .LBB1_5-.Ltmp2, $1  }
0x2c: {  	_ =	sdelay $0x3  }
0x2d: {  	s14 =	simm.s32 $0x1  }
0x2e: {  	_ =	swait.ge [sflag:s4], $0x4000;
	s14 =	simm.s32 @!p0 $0x0  }
0x2f: {  	[sflag:s4] =	ssyncset.done $0x0;
	s15 =	sshll.u32 s14, $0xE  }
0x30: {  	[sflag:s4] =	ssyncadd.s32 $0xFFFFC000;
	s16 =	sor.u32 $0x40, s15  }
0x31: {  	s14 =	smul.u32 $0x10200, s14;
	v0 =	vld [tilespmem:s16+$0x30]  }
0x32: {  	v3 =	vld [tilespmem:s16+$0xFFFFFFD0]  }
0x33: {  	s14 =	sshrl.u32 s14, $0x2;
	v4 =	vld [tilespmem:s16+$0xFFFFFFE0]  }
0x34: {  	v5 =	vld [tilespmem:s16+$0xFFFFFFF0];
	s15 =	sor.u32 $0x8000, s14  }
0x35: {  	s31 =	sand.u32 $0x1, s11;
	v1 =	vld [tilespmem:s16+$0x0];
	s17 =	sadd.s32 $0x0, s15  }
0x36: {  	v2 =	vld [tilespmem:s16+$0x10];
	s14 =	smul.u32 $0x10200, s31;
	[tilespmem:s17+$0x3870 ss:$0x81] =	vst.msk $0xffff, v0  }
0x37: {  	[tilespmem:s17+$0x810 ss:$0x81] =	vst.msk $0xffff, v3;
	v3 =	vld [tilespmem:s16+$0x20]  }
0x38: {  	s14 =	sshrl.u32 s14, $0x2;
	v0 =	vld [tilespmem:s16+$0xFFFFFFC0];
	[tilespmem:s17+$0x1020 ss:$0x81] =	vst.msk $0xffff, v4;
	s16 =	sadd.s32 $0x80, s16  }
0x39: {  	s18 =	simm.s32 $0x4;
	s19 =	simm.s32 $0x8;
	s14 =	sor.u32 $0x8000, s14;
	[tilespmem:s17+$0x1830 ss:$0x81] =	vst.msk $0xffff, v5;
	v4 =	vld [tilespmem:s16+$0x30]  }
.LBB1_3:
0x3a: {  	p1 =	sne.s32 s19, $0x1FC;
	v5 =	vld [tilespmem:s16+$0xFFFFFFD0];
	[tilespmem:s17+$0x2040 ss:$0x81] =	vst.msk $0xffff, v1  }
0x3b: {  	v6 =	vld [tilespmem:s16+$0xFFFFFFE0];
	[tilespmem:s17+$0x2850 ss:$0x81] =	vst.msk $0xffff, v2  }
0x3c: {  	s20 =	sshra.s32 s18, $0x2;
	s18 =	smov.u32 s19;
	v7 =	vld [tilespmem:s16+$0xFFFFFFF0];
	[tilespmem:s17+$0x3060 ss:$0x81] =	vst.msk $0xffff, v3  }
.Ltmp3:
0x3d: {  	v1 =	vld [tilespmem:s16+$0x0];
	[tilespmem:s17+$0x0 ss:$0x81] =	vst.msk $0xffff, v0;
	s17 =	sadd.s32 s20, s15;
	(pc) =	sbr.rel @p1 .LBB1_3-.Ltmp3, $4  }
0x3e: {  	v2 =	vld [tilespmem:s16+$0x10];
	[tilespmem:s17+$0x3870 ss:$0x81] =	vst.msk $0xffff, v4  }
0x3f: {  	[tilespmem:s17+$0x810 ss:$0x81] =	vst.msk $0xffff, v5;
	v3 =	vld [tilespmem:s16+$0x20]  }
0x40: {  	v0 =	vld [tilespmem:s16+$0xFFFFFFC0];
	[tilespmem:s17+$0x1020 ss:$0x81] =	vst.msk $0xffff, v6;
	s16 =	sadd.s32 $0x80, s16  }
0x41: {  	s19 =	sadd.s32 $0x4, s19;
	v4 =	vld [tilespmem:s16+$0x30];
	[tilespmem:s17+$0x1830 ss:$0x81] =	vst.msk $0xffff, v7  }
.Ltmp4:
0x42: {  	_ = 	snop;
	(pc) =	sbr.rel .LBB1_4-.Ltmp4, $1  }
0x43: {  	_ =	sdelay $0x3  }
.LBB1_6:
0x44: {  	_ =	sfence.sel $0x180000  }
0x45: {  	s2 =	simm.s32 $0x1;
	[bflag:$0x0] =	sbarrier.arrive $0xFFFF  }
0x46: {  	s31 =	simm.s32 $0x2;
	[sflag:s2] =	ssyncpa.u1 $0x1  }
0x47: {  	[sflag:s31] =	ssyncpa.u1 $0x1  }
0x48: {  	p0 =	sne.s32 s0, $0x0;
	_ =	strace $0x90000047  }
0x49: {  	s0 =	sadd.s32 @!p0 $0x100000, s1;
	[bflag:$0x2] =	sbarrier.arrive $0xFFFF  }
0x4a: {  	[sflag:s0] =	ssyncadd.tile.s32 @!p0 $0x1;
	_ =	shalt  }
.Lfunc_end1:
_tile_overlayer_lowered:
.L_overlay_start_2:
0x4b: {  	(tag) =	ssettag $0x2  }
0x4c: {  	s0 =	rddreg [dreg:$0x0];
	s2 =	stileid.u32  }
0x4d: {  	s1 =	rddreg [dreg:$0x1];
	p0 =	sne.s32 s2, $0x0  }
0x4e: {  	s3 =	rddreg [dreg:$0x2];
	[bflag:$0x3] =	sbarrier.arrive $0xFFFF;
	s2 =	simm.s32 @!p0 $0x1C01  }
0x4f: {  	[timem:s3], [sflag:s2] =	dma.local @!p0 [hbm:s0], s1  }
0x50: {  	s0 =	simm.s32 @!p0 $0x1  }
0x51: {  	_ =	swait.ge @!p0 [sflag:s0], s1  }
0x52: {  	s1 =	ssub.s32 @!p0 $0x0, s1;
	[sflag:s0] =	ssyncset.done @!p0 $0x0  }
0x53: {  	[sflag:s0] =	ssyncadd.s32 @!p0 s1  }
0x54: {  	[bflag:$0x3] =	sbarrier.arrive $0xFFFF  }
0x55: {  	_ =	shalt  }

</sc_bundles>
